<compile_context>
chip_gen: v7x
topology: tpu7x:2x2x1
jax: 0.10.2.dev20260603
libtpu: 0.0.44.dev20260713+nightly
codegen_flags: <defaults>
</compile_context>

<pallas_src>
import functools

import jax
import jax.numpy as jnp
from jax import lax
from jax.experimental import pallas as pl
from jax.experimental.pallas import tpu as pltpu
from jax.experimental.pallas import tpu_sc as plsc

N_NODES = 10000
N_EDGES = 320000
DIM = 128
BN_EPS = 1e-5

NC, NS, L = 2, 16, 16
NW = NC * NS
CHUNK = 128
BATCH = 2
N_PAD = 10240
ROWS_PER_TILE = N_PAD // NS
E_PAD = 327680
K0, K1 = 156, 4
DEG_CHUNKS = E_PAD // (NW * CHUNK)
DEG_BATCH = 8

_mesh = plsc.VectorSubcoreMesh(
    core_axis_name="c", subcore_axis_name="s", num_cores=NC, num_subcores=NS)


@functools.partial(
    pl.kernel,
    out_type=jax.ShapeDtypeStruct((NC * N_PAD,), jnp.float32),
    mesh=_mesh,
    scratch_types=[pltpu.VMEM((CHUNK,), jnp.int32)] * DEG_BATCH + [
        pltpu.VMEM((CHUNK,), jnp.float32),
        pltpu.VMEM((CHUNK,), jnp.float32),
        pltpu.VMEM_SHARED((N_PAD,), jnp.float32),
    ] + [pltpu.SemaphoreType.DMA] * (2 * DEG_BATCH),
)
def _deg_kernel(dst_hbm, deg_out, *rest):
    didx = rest[:DEG_BATCH]
    ones_v, zbuf_v, deg_sh = rest[DEG_BATCH:DEG_BATCH + 3]
    semi = rest[DEG_BATCH + 3:2 * DEG_BATCH + 3]
    sems = rest[2 * DEG_BATCH + 3:]
    cid = lax.axis_index("c")
    sid = lax.axis_index("s")
    wid = cid * NS + sid
    for i in range(CHUNK // L):
        ones_v[pl.ds(i * L, L)] = jnp.full((L,), 1.0, jnp.float32)
        zbuf_v[pl.ds(i * L, L)] = jnp.zeros((L,), jnp.float32)
    r0 = pl.multiple_of(sid * ROWS_PER_TILE, 128)
    for k in range(ROWS_PER_TILE // CHUNK):
        pltpu.sync_copy(zbuf_v, deg_sh.at[pl.ds(r0 + k * CHUNK, CHUNK)])
    plsc.subcore_barrier()
    base = wid * DEG_CHUNKS * CHUNK

    def body(t, _):
        c0 = base + t * DEG_BATCH * CHUNK
        ih = [
            pltpu.async_copy(dst_hbm.at[pl.ds(c0 + b * CHUNK, CHUNK)],
                             didx[b], semi[b])
            for b in range(DEG_BATCH)
        ]
        sh = []
        for b in range(DEG_BATCH):
            ih[b].wait()
            sh.append(pltpu.async_copy(ones_v, deg_sh.at[didx[b]], sems[b],
                                       add=True))
        for h in sh:
            h.wait()
        return ()

    lax.fori_loop(0, DEG_CHUNKS // DEG_BATCH, body, (), unroll=False)
    plsc.subcore_barrier()
    o0 = pl.multiple_of(cid * N_PAD + r0, 128)
    pltpu.sync_copy(deg_sh.at[pl.ds(r0, ROWS_PER_TILE)],
                    deg_out.at[pl.ds(o0, ROWS_PER_TILE)])


@functools.partial(
    pl.kernel,
    out_type=jax.ShapeDtypeStruct((NC * N_PAD, DIM), jnp.float32),
    mesh=_mesh,
    scratch_types=[pltpu.VMEM((CHUNK,), jnp.int32)] * (2 * BATCH) + [
        pltpu.VMEM((BATCH, CHUNK, DIM), jnp.float32),
        pltpu.VMEM_SHARED((N_PAD, DIM), jnp.float32),
    ] + [pltpu.SemaphoreType.DMA] * (4 * BATCH),
)
def _gather_scatter_kernel(xs_hbm, src_hbm, dst_hbm, acc_out, *rest):
    sidx = rest[:BATCH]
    didx = rest[BATCH:2 * BATCH]
    rows_v, acc_sh = rest[2 * BATCH:2 * BATCH + 2]
    sems = rest[2 * BATCH + 2:]
    semi = sems[:BATCH]
    semi2 = sems[BATCH:2 * BATCH]
    semg = sems[2 * BATCH:3 * BATCH]
    semsc = sems[3 * BATCH:]
    cid = lax.axis_index("c")
    sid = lax.axis_index("s")
    r0 = pl.multiple_of(sid * ROWS_PER_TILE, 128)

    def zrow(r, _):
        for i in range(DIM // L):
            rows_v[0, r, pl.ds(i * L, L)] = jnp.zeros((L,), jnp.float32)
        return ()

    lax.fori_loop(0, CHUNK, zrow, (), unroll=False)
    for k in range(ROWS_PER_TILE // CHUNK):
        pltpu.sync_copy(rows_v.at[0], acc_sh.at[pl.ds(r0 + k * CHUNK, CHUNK)])
    plsc.subcore_barrier()

    @pl.when(cid == 0)
    def _():
        base = sid * K0 * CHUNK

        def body(t, _):
            c0 = base + t * BATCH * CHUNK
            ih = []
            for b in range(BATCH):
                off = c0 + b * CHUNK
                ih.append((
                    pltpu.async_copy(src_hbm.at[pl.ds(off, CHUNK)], sidx[b],
                                     semi[b]),
                    pltpu.async_copy(dst_hbm.at[pl.ds(off, CHUNK)], didx[b],
                                     semi2[b]),
                ))
            gh = []
            for b in range(BATCH):
                ih[b][0].wait()
                gh.append(pltpu.async_copy(xs_hbm.at[sidx[b]], rows_v.at[b],
                                           semg[b]))
            sh = []
            for b in range(BATCH):
                gh[b].wait()
                ih[b][1].wait()
                sh.append(pltpu.async_copy(rows_v.at[b], acc_sh.at[didx[b]],
                                           semsc[b], add=True))
            for h in sh:
                h.wait()
            return ()

        lax.fori_loop(0, K0 // BATCH, body, (), unroll=False)

    @pl.when(cid == 1)
    def _():
        base = (NS * K0 + sid * K1) * CHUNK

        def body(t, _):
            off = base + t * CHUNK
            h1 = pltpu.async_copy(src_hbm.at[pl.ds(off, CHUNK)], sidx[0],
                                  semi[0])
            h2 = pltpu.async_copy(dst_hbm.at[pl.ds(off, CHUNK)], didx[0],
                                  semi2[0])
            h1.wait()
            pltpu.async_copy(xs_hbm.at[sidx[0]], rows_v.at[0], semg[0]).wait()
            h2.wait()
            pltpu.async_copy(rows_v.at[0], acc_sh.at[didx[0]], semsc[0],
                             add=True).wait()
            return ()

        lax.fori_loop(0, K1, body, (), unroll=False)

    plsc.subcore_barrier()
    o0 = pl.multiple_of(cid * N_PAD + r0, 128)
    WB = 4 * BATCH
    wrows = ROWS_PER_TILE // WB
    wh = [
        pltpu.async_copy(acc_sh.at[pl.ds(r0 + j * wrows, wrows)],
                         acc_out.at[pl.ds(o0 + j * wrows, wrows)], sems[j])
        for j in range(WB)
    ]
    for h in wh:
        h.wait()


ROW_BLK = 1000


def _scale_body(x_ref, w_ref, d0_ref, d1_ref, xs_ref):
    dinv = lax.rsqrt(d0_ref[...] + d1_ref[...] + 1.0)
    xw = jnp.dot(x_ref[...], w_ref[...], preferred_element_type=jnp.float32)
    xs_ref[...] = xw * dinv


def _scale_kernel(x, w, d0, d1):
    return pl.pallas_call(
        _scale_body,
        out_shape=jax.ShapeDtypeStruct((N_NODES, DIM), jnp.float32),
        grid=(N_NODES // ROW_BLK,),
        in_specs=[
            pl.BlockSpec((ROW_BLK, DIM), lambda i: (i, 0)),
            pl.BlockSpec((DIM, DIM), lambda i: (0, 0)),
            pl.BlockSpec((ROW_BLK, 1), lambda i: (i, 0)),
            pl.BlockSpec((ROW_BLK, 1), lambda i: (i, 0)),
        ],
        out_specs=pl.BlockSpec((ROW_BLK, DIM), lambda i: (i, 0)),
    )(x, w, d0, d1)


def _final_body(x_ref, xs_ref, a0_ref, a1_ref, d0_ref, d1_ref, bg_ref,
                g1_ref, be1_ref, w1_ref, b1_ref, w2_ref, b2_ref, g2_ref,
                be2_ref, out_ref):
    c = 1.0 / (1.0 + BN_EPS) ** 0.5
    dinv = lax.rsqrt(d0_ref[...] + d1_ref[...] + 1.0)
    acc = a0_ref[...] + a1_ref[...] + xs_ref[...]
    h = x_ref[...] + dinv * acc + bg_ref[...]
    h = g1_ref[...] * (h * c) + be1_ref[...]
    t = jnp.dot(h, w1_ref[...], preferred_element_type=jnp.float32)
    t = jnp.maximum(t + b1_ref[...], 0.0)
    ff = jnp.dot(t, w2_ref[...], preferred_element_type=jnp.float32)
    h = h + ff + b2_ref[...]
    out_ref[...] = g2_ref[...] * (h * c) + be2_ref[...]


def _final_kernel(x, xs, a0, a1, d0, d1, b_gcn, g1, be1, w1, b1, w2, b2,
                  g2, be2):
    row = lambda i: (i, 0)
    full = lambda shape: pl.BlockSpec(shape, lambda i: (0, 0))
    return pl.pallas_call(
        _final_body,
        out_shape=jax.ShapeDtypeStruct((N_NODES, DIM), jnp.float32),
        grid=(N_NODES // ROW_BLK,),
        in_specs=[
            pl.BlockSpec((ROW_BLK, DIM), row),
            pl.BlockSpec((ROW_BLK, DIM), row),
            pl.BlockSpec((ROW_BLK, DIM), row),
            pl.BlockSpec((ROW_BLK, DIM), row),
            pl.BlockSpec((ROW_BLK, 1), row),
            pl.BlockSpec((ROW_BLK, 1), row),
            full((1, DIM)),
            full((1, DIM)),
            full((1, DIM)),
            full((DIM, 2 * DIM)),
            full((1, 2 * DIM)),
            full((2 * DIM, DIM)),
            full((1, DIM)),
            full((1, DIM)),
            full((1, DIM)),
        ],
        out_specs=pl.BlockSpec((ROW_BLK, DIM), row),
    )(x, xs, a0, a1, d0, d1, b_gcn, g1, be1, w1, b1, w2, b2, g2, be2)


def kernel(x, edge_index, edge_attr, W_gcn, b_gcn, bn1_g, bn1_b, W1, b1,
           W2, b2, bn2_g, bn2_b):
    del edge_attr
    src = edge_index[0].astype(jnp.int32)
    dst = edge_index[1].astype(jnp.int32)
    npad = E_PAD - N_EDGES
    src = jnp.concatenate([src, jnp.zeros((npad,), jnp.int32)])
    dst = jnp.concatenate([dst, jnp.full((npad,), N_NODES, jnp.int32)])

    deg = _deg_kernel(dst).reshape(NC, N_PAD)
    d0 = deg[0, :N_NODES, None]
    d1 = deg[1, :N_NODES, None]
    xs = _scale_kernel(x, W_gcn, d0, d1)
    acc = _gather_scatter_kernel(xs, src, dst).reshape(NC, N_PAD, DIM)
    return _final_kernel(
        x, xs, acc[0, :N_NODES], acc[1, :N_NODES], d0, d1,
        b_gcn[None, :], bn1_g[None, :], bn1_b[None, :],
        W1, b1[None, :], W2, b2[None, :], bn2_g[None, :], bn2_b[None, :])

# --- scband reference (transcript-rebuilt; emitter-appended) ---
"""Pipeline reference for scband-multi-layer-18786186952967 (READ-ONLY COPY).

The authoritative reference and input builder live on the scoring server;
editing this copy changes nothing except your own understanding.
"""

import jax, jax.numpy as jnp
import numpy as np

N_NODES = 10000
N_EDGES = 320000
DIM = 128
BN_EPS = 1e-5


def setup_inputs(seed: int = 0) -> dict:
    key = jax.random.key(seed)
    ks = jax.random.split(key, 12)
    x = jax.random.normal(ks[0], (N_NODES, DIM), dtype=jnp.float32)
    edge_index = jax.random.randint(ks[1], (2, N_EDGES), 0, N_NODES, dtype=jnp.int64) if jax.config.jax_enable_x64 else jax.random.randint(ks[1], (2, N_EDGES), 0, N_NODES, dtype=jnp.int32)
    edge_attr = jax.random.normal(ks[2], (N_EDGES, 16), dtype=jnp.float32)
    s = 1.0 / np.sqrt(DIM)
    W_gcn = jax.random.uniform(ks[3], (DIM, DIM), jnp.float32, -s, s)
    b_gcn = jnp.zeros((DIM,), jnp.float32)
    bn1_g = jnp.ones((DIM,), jnp.float32)
    bn1_b = jnp.zeros((DIM,), jnp.float32)
    W1 = jax.random.uniform(ks[4], (DIM, 2 * DIM), jnp.float32, -s, s)
    b1 = jax.random.uniform(ks[5], (2 * DIM,), jnp.float32, -s, s)
    s2 = 1.0 / np.sqrt(2 * DIM)
    W2 = jax.random.uniform(ks[6], (2 * DIM, DIM), jnp.float32, -s2, s2)
    b2 = jax.random.uniform(ks[7], (DIM,), jnp.float32, -s2, s2)
    bn2_g = jnp.ones((DIM,), jnp.float32)
    bn2_b = jnp.zeros((DIM,), jnp.float32)
    return {
        "x": x, "edge_index": edge_index, "edge_attr": edge_attr,
        "W_gcn": W_gcn, "b_gcn": b_gcn, "bn1_g": bn1_g, "bn1_b": bn1_b,
        "W1": W1, "b1": b1, "W2": W2, "b2": b2,
        "bn2_g": bn2_g, "bn2_b": bn2_b,
    }


def _bn_eval(h, gamma, beta):
    # BatchNorm1d in eval mode with default running stats (mean=0, var=1)
    return gamma * (h / jnp.sqrt(1.0 + BN_EPS)) + beta


def _gcn_conv(x, edge_index, W, b):
    N = x.shape[0]
    src = edge_index[0]
    dst = edge_index[1]
    loop = jnp.arange(N, dtype=src.dtype)
    src = jnp.concatenate([src, loop])
    dst = jnp.concatenate([dst, loop])
    deg = jnp.zeros((N,), jnp.float32).at[dst].add(1.0)
    dinv = jnp.where(deg > 0, deg ** -0.5, 0.0)
    norm = dinv[src] * dinv[dst]
    xw = x @ W
    msg = xw[src] * norm[:, None]
    out = jnp.zeros_like(xw).at[dst].add(msg)
    return out + b


def reference(x, edge_index, edge_attr, W_gcn, b_gcn, bn1_g, bn1_b, W1, b1, W2, b2, bn2_g, bn2_b):
    # LocalModel (GCN path), eval mode: dropout = identity
    h_in1 = x
    h_local = _gcn_conv(x, edge_index, W_gcn, b_gcn)
    h_local = h_in1 + h_local
    h_local = _bn_eval(h_local, bn1_g, bn1_b)
    # MultiLayer: sum over single sub-model, then FF block
    h = h_local
    ff = jnp.maximum(h @ W1 + b1, 0.0) @ W2 + b2
    h = h + ff
    h = _bn_eval(h, bn2_g, bn2_b)
    return h

if __name__ == "__main__":
    import jax
    _d = setup_inputs()
    print(jax.jit(kernel)(*tuple(_d.values())))

</pallas_src>

<mosaic_0001>
#map = affine_map<(d0, d1) -> (0)>
module attributes {stable_mosaic.version = 14 : i64} {
  func.func @_deg_kernel(%arg0: i32, %arg1: i32, %arg2: memref<327680xi32, #tpu.memory_space<hbm>>, %arg3: memref<20480xf32, #tpu.memory_space<hbm>>, %arg4: memref<128xi32, #tpu.memory_space<vmem>>, %arg5: memref<128xi32, #tpu.memory_space<vmem>>, %arg6: memref<128xi32, #tpu.memory_space<vmem>>, %arg7: memref<128xi32, #tpu.memory_space<vmem>>, %arg8: memref<128xi32, #tpu.memory_space<vmem>>, %arg9: memref<128xi32, #tpu.memory_space<vmem>>, %arg10: memref<128xi32, #tpu.memory_space<vmem>>, %arg11: memref<128xi32, #tpu.memory_space<vmem>>, %arg12: memref<128xf32, #tpu.memory_space<vmem>>, %arg13: memref<128xf32, #tpu.memory_space<vmem>>, %arg14: memref<10240xf32, #tpu.memory_space<vmem_shared>>, %arg15: memref<!tpu.dma_semaphore, #tpu.memory_space<semaphore_mem>>, %arg16: memref<!tpu.dma_semaphore, #tpu.memory_space<semaphore_mem>>, %arg17: memref<!tpu.dma_semaphore, #tpu.memory_space<semaphore_mem>>, %arg18: memref<!tpu.dma_semaphore, #tpu.memory_space<semaphore_mem>>, %arg19: memref<!tpu.dma_semaphore, #tpu.memory_space<semaphore_mem>>, %arg20: memref<!tpu.dma_semaphore, #tpu.memory_space<semaphore_mem>>, %arg21: memref<!tpu.dma_semaphore, #tpu.memory_space<semaphore_mem>>, %arg22: memref<!tpu.dma_semaphore, #tpu.memory_space<semaphore_mem>>, %arg23: memref<!tpu.dma_semaphore, #tpu.memory_space<semaphore_mem>>, %arg24: memref<!tpu.dma_semaphore, #tpu.memory_space<semaphore_mem>>, %arg25: memref<!tpu.dma_semaphore, #tpu.memory_space<semaphore_mem>>, %arg26: memref<!tpu.dma_semaphore, #tpu.memory_space<semaphore_mem>>, %arg27: memref<!tpu.dma_semaphore, #tpu.memory_space<semaphore_mem>>, %arg28: memref<!tpu.dma_semaphore, #tpu.memory_space<semaphore_mem>>, %arg29: memref<!tpu.dma_semaphore, #tpu.memory_space<semaphore_mem>>, %arg30: memref<!tpu.dma_semaphore, #tpu.memory_space<semaphore_mem>>) attributes {dimension_semantics = [#tpu.dimension_semantics<core_parallel>, #tpu.dimension_semantics<subcore_parallel>], iteration_bounds = array<i64: 2, 16>, scalar_prefetch = 0 : i64, scratch_operands = 27 : i64, tpu.core_type = #tpu.core_type<sc_vector_subcore>, window_params = [{transform_indices = #map}, {transform_indices = #map}]} {
    %mul3A = arith.constant 16 : i32
    %mul3A_0 = arith.muli %arg0, %mul3A : i32
    %add3A = arith.addi %mul3A_0, %arg1 : i32
    %broadcast_in_dim3A = arith.constant 1.000000e+00 : f32
    %broadcast_in_dim3A_1 = vector.broadcast %broadcast_in_dim3A : f32 to vector<16xf32>
    %swap3A = arith.constant 0 : index
    %swap3A_2 = tpu.vector_load %arg12[%swap3A] {strides = array<i32>} : memref<128xf32, #tpu.memory_space<vmem>>, vector<16xf32>,
    %swap3A_3 = vector.shape_cast %swap3A_2 : vector<16xf32> to vector<16xf32>
    %swap3A_4 = vector.shape_cast %broadcast_in_dim3A_1 : vector<16xf32> to vector<16xf32>
    tpu.vector_store %arg12[%swap3A], %swap3A_4 {strides = array<i32>} : memref<128xf32, #tpu.memory_space<vmem>>, vector<16xf32>,
    %broadcast_in_dim3A_5 = arith.constant 0.000000e+00 : f32
    %broadcast_in_dim3A_6 = vector.broadcast %broadcast_in_dim3A_5 : f32 to vector<16xf32>
    %swap3A_7 = arith.constant 0 : index
    %swap3A_8 = tpu.vector_load %arg13[%swap3A_7] {strides = array<i32>} : memref<128xf32, #tpu.memory_space<vmem>>, vector<16xf32>,
    %swap3A_9 = vector.shape_cast %swap3A_8 : vector<16xf32> to vector<16xf32>
    %swap3A_10 = vector.shape_cast %broadcast_in_dim3A_6 : vector<16xf32> to vector<16xf32>
    tpu.vector_store %arg13[%swap3A_7], %swap3A_10 {strides = array<i32>} : memref<128xf32, #tpu.memory_space<vmem>>, vector<16xf32>,
    %broadcast_in_dim3A_11 = arith.constant 1.000000e+00 : f32
    %broadcast_in_dim3A_12 = vector.broadcast %broadcast_in_dim3A_11 : f32 to vector<16xf32>
    %swap3A_13 = arith.constant 16 : index
    %swap3A_14 = tpu.vector_load %arg12[%swap3A_13] {strides = array<i32>} : memref<128xf32, #tpu.memory_space<vmem>>, vector<16xf32>,
    %swap3A_15 = vector.shape_cast %swap3A_14 : vector<16xf32> to vector<16xf32>
    %swap3A_16 = vector.shape_cast %broadcast_in_dim3A_12 : vector<16xf32> to vector<16xf32>
    tpu.vector_store %arg12[%swap3A_13], %swap3A_16 {strides = array<i32>} : memref<128xf32, #tpu.memory_space<vmem>>, vector<16xf32>,
    %broadcast_in_dim3A_17 = arith.constant 0.000000e+00 : f32
    %broadcast_in_dim3A_18 = vector.broadcast %broadcast_in_dim3A_17 : f32 to vector<16xf32>
    %swap3A_19 = arith.constant 16 : index
    %swap3A_20 = tpu.vector_load %arg13[%swap3A_19] {strides = array<i32>} : memref<128xf32, #tpu.memory_space<vmem>>, vector<16xf32>,
    %swap3A_21 = vector.shape_cast %swap3A_20 : vector<16xf32> to vector<16xf32>
    %swap3A_22 = vector.shape_cast %broadcast_in_dim3A_18 : vector<16xf32> to vector<16xf32>
    tpu.vector_store %arg13[%swap3A_19], %swap3A_22 {strides = array<i32>} : memref<128xf32, #tpu.memory_space<vmem>>, vector<16xf32>,
    %broadcast_in_dim3A_23 = arith.constant 1.000000e+00 : f32
    %broadcast_in_dim3A_24 = vector.broadcast %broadcast_in_dim3A_23 : f32 to vector<16xf32>
    %swap3A_25 = arith.constant 32 : index
    %swap3A_26 = tpu.vector_load %arg12[%swap3A_25] {strides = array<i32>} : memref<128xf32, #tpu.memory_space<vmem>>, vector<16xf32>,
    %swap3A_27 = vector.shape_cast %swap3A_26 : vector<16xf32> to vector<16xf32>
    %swap3A_28 = vector.shape_cast %broadcast_in_dim3A_24 : vector<16xf32> to vector<16xf32>
    tpu.vector_store %arg12[%swap3A_25], %swap3A_28 {strides = array<i32>} : memref<128xf32, #tpu.memory_space<vmem>>, vector<16xf32>,
    %broadcast_in_dim3A_29 = arith.constant 0.000000e+00 : f32
    %broadcast_in_dim3A_30 = vector.broadcast %broadcast_in_dim3A_29 : f32 to vector<16xf32>
    %swap3A_31 = arith.constant 32 : index
    %swap3A_32 = tpu.vector_load %arg13[%swap3A_31] {strides = array<i32>} : memref<128xf32, #tpu.memory_space<vmem>>, vector<16xf32>,
    %swap3A_33 = vector.shape_cast %swap3A_32 : vector<16xf32> to vector<16xf32>
    %swap3A_34 = vector.shape_cast %broadcast_in_dim3A_30 : vector<16xf32> to vector<16xf32>
    tpu.vector_store %arg13[%swap3A_31], %swap3A_34 {strides = array<i32>} : memref<128xf32, #tpu.memory_space<vmem>>, vector<16xf32>,
    %broadcast_in_dim3A_35 = arith.constant 1.000000e+00 : f32
    %broadcast_in_dim3A_36 = vector.broadcast %broadcast_in_dim3A_35 : f32 to vector<16xf32>
    %swap3A_37 = arith.constant 48 : index
    %swap3A_38 = tpu.vector_load %arg12[%swap3A_37] {strides = array<i32>} : memref<128xf32, #tpu.memory_space<vmem>>, vector<16xf32>,
    %swap3A_39 = vector.shape_cast %swap3A_38 : vector<16xf32> to vector<16xf32>
    %swap3A_40 = vector.shape_cast %broadcast_in_dim3A_36 : vector<16xf32> to vector<16xf32>
    tpu.vector_store %arg12[%swap3A_37], %swap3A_40 {strides = array<i32>} : memref<128xf32, #tpu.memory_space<vmem>>, vector<16xf32>,
    %broadcast_in_dim3A_41 = arith.constant 0.000000e+00 : f32
    %broadcast_in_dim3A_42 = vector.broadcast %broadcast_in_dim3A_41 : f32 to vector<16xf32>
    %swap3A_43 = arith.constant 48 : index
    %swap3A_44 = tpu.vector_load %arg13[%swap3A_43] {strides = array<i32>} : memref<128xf32, #tpu.memory_space<vmem>>, vector<16xf32>,
    %swap3A_45 = vector.shape_cast %swap3A_44 : vector<16xf32> to vector<16xf32>
    %swap3A_46 = vector.shape_cast %broadcast_in_dim3A_42 : vector<16xf32> to vector<16xf32>
    tpu.vector_store %arg13[%swap3A_43], %swap3A_46 {strides = array<i32>} : memref<128xf32, #tpu.memory_space<vmem>>, vector<16xf32>,
    %broadcast_in_dim3A_47 = arith.constant 1.000000e+00 : f32
    %broadcast_in_dim3A_48 = vector.broadcast %broadcast_in_dim3A_47 : f32 to vector<16xf32>
    %swap3A_49 = arith.constant 64 : index
    %swap3A_50 = tpu.vector_load %arg12[%swap3A_49] {strides = array<i32>} : memref<128xf32, #tpu.memory_space<vmem>>, vector<16xf32>,
    %swap3A_51 = vector.shape_cast %swap3A_50 : vector<16xf32> to vector<16xf32>
    %swap3A_52 = vector.shape_cast %broadcast_in_dim3A_48 : vector<16xf32> to vector<16xf32>
    tpu.vector_store %arg12[%swap3A_49], %swap3A_52 {strides = array<i32>} : memref<128xf32, #tpu.memory_space<vmem>>, vector<16xf32>,
    %broadcast_in_dim3A_53 = arith.constant 0.000000e+00 : f32
    %broadcast_in_dim3A_54 = vector.broadcast %broadcast_in_dim3A_53 : f32 to vector<16xf32>
    %swap3A_55 = arith.constant 64 : index
    %swap3A_56 = tpu.vector_load %arg13[%swap3A_55] {strides = array<i32>} : memref<128xf32, #tpu.memory_space<vmem>>, vector<16xf32>,
    %swap3A_57 = vector.shape_cast %swap3A_56 : vector<16xf32> to vector<16xf32>
    %swap3A_58 = vector.shape_cast %broadcast_in_dim3A_54 : vector<16xf32> to vector<16xf32>
    tpu.vector_store %arg13[%swap3A_55], %swap3A_58 {strides = array<i32>} : memref<128xf32, #tpu.memory_space<vmem>>, vector<16xf32>,
    %broadcast_in_dim3A_59 = arith.constant 1.000000e+00 : f32
    %broadcast_in_dim3A_60 = vector.broadcast %broadcast_in_dim3A_59 : f32 to vector<16xf32>
    %swap3A_61 = arith.constant 80 : index
    %swap3A_62 = tpu.vector_load %arg12[%swap3A_61] {strides = array<i32>} : memref<128xf32, #tpu.memory_space<vmem>>, vector<16xf32>,
    %swap3A_63 = vector.shape_cast %swap3A_62 : vector<16xf32> to vector<16xf32>
    %swap3A_64 = vector.shape_cast %broadcast_in_dim3A_60 : vector<16xf32> to vector<16xf32>
    tpu.vector_store %arg12[%swap3A_61], %swap3A_64 {strides = array<i32>} : memref<128xf32, #tpu.memory_space<vmem>>, vector<16xf32>,
    %broadcast_in_dim3A_65 = arith.constant 0.000000e+00 : f32
    %broadcast_in_dim3A_66 = vector.broadcast %broadcast_in_dim3A_65 : f32 to vector<16xf32>
    %swap3A_67 = arith.constant 80 : index
    %swap3A_68 = tpu.vector_load %arg13[%swap3A_67] {strides = array<i32>} : memref<128xf32, #tpu.memory_space<vmem>>, vector<16xf32>,
    %swap3A_69 = vector.shape_cast %swap3A_68 : vector<16xf32> to vector<16xf32>
    %swap3A_70 = vector.shape_cast %broadcast_in_dim3A_66 : vector<16xf32> to vector<16xf32>
    tpu.vector_store %arg13[%swap3A_67], %swap3A_70 {strides = array<i32>} : memref<128xf32, #tpu.memory_space<vmem>>, vector<16xf32>,
    %broadcast_in_dim3A_71 = arith.constant 1.000000e+00 : f32
    %broadcast_in_dim3A_72 = vector.broadcast %broadcast_in_dim3A_71 : f32 to vector<16xf32>
    %swap3A_73 = arith.constant 96 : index
    %swap3A_74 = tpu.vector_load %arg12[%swap3A_73] {strides = array<i32>} : memref<128xf32, #tpu.memory_space<vmem>>, vector<16xf32>,
    %swap3A_75 = vector.shape_cast %swap3A_74 : vector<16xf32> to vector<16xf32>
    %swap3A_76 = vector.shape_cast %broadcast_in_dim3A_72 : vector<16xf32> to vector<16xf32>
    tpu.vector_store %arg12[%swap3A_73], %swap3A_76 {strides = array<i32>} : memref<128xf32, #tpu.memory_space<vmem>>, vector<16xf32>,
    %broadcast_in_dim3A_77 = arith.constant 0.000000e+00 : f32
    %broadcast_in_dim3A_78 = vector.broadcast %broadcast_in_dim3A_77 : f32 to vector<16xf32>
    %swap3A_79 = arith.constant 96 : index
    %swap3A_80 = tpu.vector_load %arg13[%swap3A_79] {strides = array<i32>} : memref<128xf32, #tpu.memory_space<vmem>>, vector<16xf32>,
    %swap3A_81 = vector.shape_cast %swap3A_80 : vector<16xf32> to vector<16xf32>
    %swap3A_82 = vector.shape_cast %broadcast_in_dim3A_78 : vector<16xf32> to vector<16xf32>
    tpu.vector_store %arg13[%swap3A_79], %swap3A_82 {strides = array<i32>} : memref<128xf32, #tpu.memory_space<vmem>>, vector<16xf32>,
    %broadcast_in_dim3A_83 = arith.constant 1.000000e+00 : f32
    %broadcast_in_dim3A_84 = vector.broadcast %broadcast_in_dim3A_83 : f32 to vector<16xf32>
    %swap3A_85 = arith.constant 112 : index
    %swap3A_86 = tpu.vector_load %arg12[%swap3A_85] {strides = array<i32>} : memref<128xf32, #tpu.memory_space<vmem>>, vector<16xf32>,
    %swap3A_87 = vector.shape_cast %swap3A_86 : vector<16xf32> to vector<16xf32>
    %swap3A_88 = vector.shape_cast %broadcast_in_dim3A_84 : vector<16xf32> to vector<16xf32>
    tpu.vector_store %arg12[%swap3A_85], %swap3A_88 {strides = array<i32>} : memref<128xf32, #tpu.memory_space<vmem>>, vector<16xf32>,
    %broadcast_in_dim3A_89 = arith.constant 0.000000e+00 : f32
    %broadcast_in_dim3A_90 = vector.broadcast %broadcast_in_dim3A_89 : f32 to vector<16xf32>
    %swap3A_91 = arith.constant 112 : index
    %swap3A_92 = tpu.vector_load %arg13[%swap3A_91] {strides = array<i32>} : memref<128xf32, #tpu.memory_space<vmem>>, vector<16xf32>,
    %swap3A_93 = vector.shape_cast %swap3A_92 : vector<16xf32> to vector<16xf32>
    %swap3A_94 = vector.shape_cast %broadcast_in_dim3A_90 : vector<16xf32> to vector<16xf32>
    tpu.vector_store %arg13[%swap3A_91], %swap3A_94 {strides = array<i32>} : memref<128xf32, #tpu.memory_space<vmem>>, vector<16xf32>,
    %mul3A_95 = arith.constant 640 : i32
    %mul3A_96 = arith.muli %arg1, %mul3A_95 : i32
    %multiple_of3A = tpu.assume_multiple %mul3A_96, 128 : i32
    %add3A_97 = arith.constant 0 : i32
    %add3A_98 = arith.addi %multiple_of3A, %add3A_97 : i32
    "tpu.region"() ({
      %run_scoped3A = tpu.sem_alloc : memref<!tpu.dma_semaphore, #tpu.memory_space<semaphore_mem>>
      %dma_start3A = tpu.memref_slice %arg14[%add3A_98] : memref<10240xf32, #tpu.memory_space<vmem_shared>> -> memref<128xf32, #tpu.memory_space<vmem_shared>>
      %dma_start3A_120 = tpu.memref_slice %arg14[%add3A_98] : memref<10240xf32, #tpu.memory_space<vmem_shared>> -> memref<128xf32, #tpu.memory_space<vmem_shared>>
      tpu.enqueue_dma source(%arg13 : memref<128xf32, #tpu.memory_space<vmem>>) target(%dma_start3A_120 : memref<128xf32, #tpu.memory_space<vmem_shared>>) target_semaphore(%run_scoped3A : memref<!tpu.dma_semaphore, #tpu.memory_space<semaphore_mem>>)
      %dma_wait3A = tpu.memref_slice %arg14[%add3A_98] : memref<10240xf32, #tpu.memory_space<vmem_shared>> -> memref<128xf32, #tpu.memory_space<vmem_shared>>
      %dma_wait3A_121 = tpu.memref_slice %arg14[%add3A_98] : memref<10240xf32, #tpu.memory_space<vmem_shared>> -> memref<128xf32, #tpu.memory_space<vmem_shared>>
      tpu.wait_dma2 semaphore(%run_scoped3A : memref<!tpu.dma_semaphore, #tpu.memory_space<semaphore_mem>>) src(%arg13 : memref<128xf32, #tpu.memory_space<vmem>>) dst(%dma_wait3A_121 : memref<128xf32, #tpu.memory_space<vmem_shared>>)
      tpu.yield
    }) : () -> ()
    %add3A_99 = arith.constant 128 : i32
    %add3A_100 = arith.addi %multiple_of3A, %add3A_99 : i32
    "tpu.region"() ({
      %run_scoped3A = tpu.sem_alloc : memref<!tpu.dma_semaphore, #tpu.memory_space<semaphore_mem>>
      %dma_start3A = tpu.memref_slice %arg14[%add3A_100] : memref<10240xf32, #tpu.memory_space<vmem_shared>> -> memref<128xf32, #tpu.memory_space<vmem_shared>>
      %dma_start3A_120 = tpu.memref_slice %arg14[%add3A_100] : memref<10240xf32, #tpu.memory_space<vmem_shared>> -> memref<128xf32, #tpu.memory_space<vmem_shared>>
      tpu.enqueue_dma source(%arg13 : memref<128xf32, #tpu.memory_space<vmem>>) target(%dma_start3A_120 : memref<128xf32, #tpu.memory_space<vmem_shared>>) target_semaphore(%run_scoped3A : memref<!tpu.dma_semaphore, #tpu.memory_space<semaphore_mem>>)
      %dma_wait3A = tpu.memref_slice %arg14[%add3A_100] : memref<10240xf32, #tpu.memory_space<vmem_shared>> -> memref<128xf32, #tpu.memory_space<vmem_shared>>
      %dma_wait3A_121 = tpu.memref_slice %arg14[%add3A_100] : memref<10240xf32, #tpu.memory_space<vmem_shared>> -> memref<128xf32, #tpu.memory_space<vmem_shared>>
      tpu.wait_dma2 semaphore(%run_scoped3A : memref<!tpu.dma_semaphore, #tpu.memory_space<semaphore_mem>>) src(%arg13 : memref<128xf32, #tpu.memory_space<vmem>>) dst(%dma_wait3A_121 : memref<128xf32, #tpu.memory_space<vmem_shared>>)
      tpu.yield
    }) : () -> ()
    %add3A_101 = arith.constant 256 : i32
    %add3A_102 = arith.addi %multiple_of3A, %add3A_101 : i32
    "tpu.region"() ({
      %run_scoped3A = tpu.sem_alloc : memref<!tpu.dma_semaphore, #tpu.memory_space<semaphore_mem>>
      %dma_start3A = tpu.memref_slice %arg14[%add3A_102] : memref<10240xf32, #tpu.memory_space<vmem_shared>> -> memref<128xf32, #tpu.memory_space<vmem_shared>>
      %dma_start3A_120 = tpu.memref_slice %arg14[%add3A_102] : memref<10240xf32, #tpu.memory_space<vmem_shared>> -> memref<128xf32, #tpu.memory_space<vmem_shared>>
      tpu.enqueue_dma source(%arg13 : memref<128xf32, #tpu.memory_space<vmem>>) target(%dma_start3A_120 : memref<128xf32, #tpu.memory_space<vmem_shared>>) target_semaphore(%run_scoped3A : memref<!tpu.dma_semaphore, #tpu.memory_space<semaphore_mem>>)
      %dma_wait3A = tpu.memref_slice %arg14[%add3A_102] : memref<10240xf32, #tpu.memory_space<vmem_shared>> -> memref<128xf32, #tpu.memory_space<vmem_shared>>
      %dma_wait3A_121 = tpu.memref_slice %arg14[%add3A_102] : memref<10240xf32, #tpu.memory_space<vmem_shared>> -> memref<128xf32, #tpu.memory_space<vmem_shared>>
      tpu.wait_dma2 semaphore(%run_scoped3A : memref<!tpu.dma_semaphore, #tpu.memory_space<semaphore_mem>>) src(%arg13 : memref<128xf32, #tpu.memory_space<vmem>>) dst(%dma_wait3A_121 : memref<128xf32, #tpu.memory_space<vmem_shared>>)
      tpu.yield
    }) : () -> ()
    %add3A_103 = arith.constant 384 : i32
    %add3A_104 = arith.addi %multiple_of3A, %add3A_103 : i32
    "tpu.region"() ({
      %run_scoped3A = tpu.sem_alloc : memref<!tpu.dma_semaphore, #tpu.memory_space<semaphore_mem>>
      %dma_start3A = tpu.memref_slice %arg14[%add3A_104] : memref<10240xf32, #tpu.memory_space<vmem_shared>> -> memref<128xf32, #tpu.memory_space<vmem_shared>>
      %dma_start3A_120 = tpu.memref_slice %arg14[%add3A_104] : memref<10240xf32, #tpu.memory_space<vmem_shared>> -> memref<128xf32, #tpu.memory_space<vmem_shared>>
      tpu.enqueue_dma source(%arg13 : memref<128xf32, #tpu.memory_space<vmem>>) target(%dma_start3A_120 : memref<128xf32, #tpu.memory_space<vmem_shared>>) target_semaphore(%run_scoped3A : memref<!tpu.dma_semaphore, #tpu.memory_space<semaphore_mem>>)
      %dma_wait3A = tpu.memref_slice %arg14[%add3A_104] : memref<10240xf32, #tpu.memory_space<vmem_shared>> -> memref<128xf32, #tpu.memory_space<vmem_shared>>
      %dma_wait3A_121 = tpu.memref_slice %arg14[%add3A_104] : memref<10240xf32, #tpu.memory_space<vmem_shared>> -> memref<128xf32, #tpu.memory_space<vmem_shared>>
      tpu.wait_dma2 semaphore(%run_scoped3A : memref<!tpu.dma_semaphore, #tpu.memory_space<semaphore_mem>>) src(%arg13 : memref<128xf32, #tpu.memory_space<vmem>>) dst(%dma_wait3A_121 : memref<128xf32, #tpu.memory_space<vmem_shared>>)
      tpu.yield
    }) : () -> ()
    %add3A_105 = arith.constant 512 : i32
    %add3A_106 = arith.addi %multiple_of3A, %add3A_105 : i32
    "tpu.region"() ({
      %run_scoped3A = tpu.sem_alloc : memref<!tpu.dma_semaphore, #tpu.memory_space<semaphore_mem>>
      %dma_start3A = tpu.memref_slice %arg14[%add3A_106] : memref<10240xf32, #tpu.memory_space<vmem_shared>> -> memref<128xf32, #tpu.memory_space<vmem_shared>>
      %dma_start3A_120 = tpu.memref_slice %arg14[%add3A_106] : memref<10240xf32, #tpu.memory_space<vmem_shared>> -> memref<128xf32, #tpu.memory_space<vmem_shared>>
      tpu.enqueue_dma source(%arg13 : memref<128xf32, #tpu.memory_space<vmem>>) target(%dma_start3A_120 : memref<128xf32, #tpu.memory_space<vmem_shared>>) target_semaphore(%run_scoped3A : memref<!tpu.dma_semaphore, #tpu.memory_space<semaphore_mem>>)
      %dma_wait3A = tpu.memref_slice %arg14[%add3A_106] : memref<10240xf32, #tpu.memory_space<vmem_shared>> -> memref<128xf32, #tpu.memory_space<vmem_shared>>
      %dma_wait3A_121 = tpu.memref_slice %arg14[%add3A_106] : memref<10240xf32, #tpu.memory_space<vmem_shared>> -> memref<128xf32, #tpu.memory_space<vmem_shared>>
      tpu.wait_dma2 semaphore(%run_scoped3A : memref<!tpu.dma_semaphore, #tpu.memory_space<semaphore_mem>>) src(%arg13 : memref<128xf32, #tpu.memory_space<vmem>>) dst(%dma_wait3A_121 : memref<128xf32, #tpu.memory_space<vmem_shared>>)
      tpu.yield
    }) : () -> ()
    %barrier3A = arith.constant 0 : index
    tpu.barrier barrier_id(%barrier3A)
    %mul3A_107 = arith.constant 80 : i32
    %mul3A_108 = arith.muli %add3A, %mul3A_107 : i32
    %mul3A_109 = arith.constant 128 : i32
    %mul3A_110 = arith.muli %mul3A_108, %mul3A_109 : i32
    %scan3A = arith.constant 0 : i32
    %scan3A_111 = arith.constant 10 : i32
    %scan3A_112 = arith.addi %scan3A, %scan3A_111 : i32
    %scan3A_113 = arith.constant 1 : i32
    scf.for %scan3A_120 = %scan3A to %scan3A_112 step %scan3A_113  : i32 {
      %mul3A_121 = arith.constant 8 : i32
      %mul3A_122 = arith.muli %scan3A_120, %mul3A_121 : i32
      %mul3A_123 = arith.constant 128 : i32
      %mul3A_124 = arith.muli %mul3A_122, %mul3A_123 : i32
      %add3A_125 = arith.addi %mul3A_110, %mul3A_124 : i32
      %add3A_126 = arith.constant 0 : i32
      %add3A_127 = arith.addi %add3A_125, %add3A_126 : i32
      %dma_start3A = tpu.memref_slice %arg2[%add3A_127] : memref<327680xi32, #tpu.memory_space<hbm>> -> memref<128xi32, #tpu.memory_space<hbm>>
      %dma_start3A_128 = tpu.memref_slice %arg2[%add3A_127] : memref<327680xi32, #tpu.memory_space<hbm>> -> memref<128xi32, #tpu.memory_space<hbm>>
      tpu.enqueue_dma source(%dma_start3A_128 : memref<128xi32, #tpu.memory_space<hbm>>) target(%arg4 : memref<128xi32, #tpu.memory_space<vmem>>) target_semaphore(%arg15 : memref<!tpu.dma_semaphore, #tpu.memory_space<semaphore_mem>>)
      %add3A_129 = arith.constant 128 : i32
      %add3A_130 = arith.addi %add3A_125, %add3A_129 : i32
      %dma_start3A_131 = tpu.memref_slice %arg2[%add3A_130] : memref<327680xi32, #tpu.memory_space<hbm>> -> memref<128xi32, #tpu.memory_space<hbm>>
      %dma_start3A_132 = tpu.memref_slice %arg2[%add3A_130] : memref<327680xi32, #tpu.memory_space<hbm>> -> memref<128xi32, #tpu.memory_space<hbm>>
      tpu.enqueue_dma source(%dma_start3A_132 : memref<128xi32, #tpu.memory_space<hbm>>) target(%arg5 : memref<128xi32, #tpu.memory_space<vmem>>) target_semaphore(%arg16 : memref<!tpu.dma_semaphore, #tpu.memory_space<semaphore_mem>>)
      %add3A_133 = arith.constant 256 : i32
      %add3A_134 = arith.addi %add3A_125, %add3A_133 : i32
      %dma_start3A_135 = tpu.memref_slice %arg2[%add3A_134] : memref<327680xi32, #tpu.memory_space<hbm>> -> memref<128xi32, #tpu.memory_space<hbm>>
      %dma_start3A_136 = tpu.memref_slice %arg2[%add3A_134] : memref<327680xi32, #tpu.memory_space<hbm>> -> memref<128xi32, #tpu.memory_space<hbm>>
      tpu.enqueue_dma source(%dma_start3A_136 : memref<128xi32, #tpu.memory_space<hbm>>) target(%arg6 : memref<128xi32, #tpu.memory_space<vmem>>) target_semaphore(%arg17 : memref<!tpu.dma_semaphore, #tpu.memory_space<semaphore_mem>>)
      %add3A_137 = arith.constant 384 : i32
      %add3A_138 = arith.addi %add3A_125, %add3A_137 : i32
      %dma_start3A_139 = tpu.memref_slice %arg2[%add3A_138] : memref<327680xi32, #tpu.memory_space<hbm>> -> memref<128xi32, #tpu.memory_space<hbm>>
      %dma_start3A_140 = tpu.memref_slice %arg2[%add3A_138] : memref<327680xi32, #tpu.memory_space<hbm>> -> memref<128xi32, #tpu.memory_space<hbm>>
      tpu.enqueue_dma source(%dma_start3A_140 : memref<128xi32, #tpu.memory_space<hbm>>) target(%arg7 : memref<128xi32, #tpu.memory_space<vmem>>) target_semaphore(%arg18 : memref<!tpu.dma_semaphore, #tpu.memory_space<semaphore_mem>>)
      %add3A_141 = arith.constant 512 : i32
      %add3A_142 = arith.addi %add3A_125, %add3A_141 : i32
      %dma_start3A_143 = tpu.memref_slice %arg2[%add3A_142] : memref<327680xi32, #tpu.memory_space<hbm>> -> memref<128xi32, #tpu.memory_space<hbm>>
      %dma_start3A_144 = tpu.memref_slice %arg2[%add3A_142] : memref<327680xi32, #tpu.memory_space<hbm>> -> memref<128xi32, #tpu.memory_space<hbm>>
      tpu.enqueue_dma source(%dma_start3A_144 : memref<128xi32, #tpu.memory_space<hbm>>) target(%arg8 : memref<128xi32, #tpu.memory_space<vmem>>) target_semaphore(%arg19 : memref<!tpu.dma_semaphore, #tpu.memory_space<semaphore_mem>>)
      %add3A_145 = arith.constant 640 : i32
      %add3A_146 = arith.addi %add3A_125, %add3A_145 : i32
      %dma_start3A_147 = tpu.memref_slice %arg2[%add3A_146] : memref<327680xi32, #tpu.memory_space<hbm>> -> memref<128xi32, #tpu.memory_space<hbm>>
      %dma_start3A_148 = tpu.memref_slice %arg2[%add3A_146] : memref<327680xi32, #tpu.memory_space<hbm>> -> memref<128xi32, #tpu.memory_space<hbm>>
      tpu.enqueue_dma source(%dma_start3A_148 : memref<128xi32, #tpu.memory_space<hbm>>) target(%arg9 : memref<128xi32, #tpu.memory_space<vmem>>) target_semaphore(%arg20 : memref<!tpu.dma_semaphore, #tpu.memory_space<semaphore_mem>>)
      %add3A_149 = arith.constant 768 : i32
      %add3A_150 = arith.addi %add3A_125, %add3A_149 : i32
      %dma_start3A_151 = tpu.memref_slice %arg2[%add3A_150] : memref<327680xi32, #tpu.memory_space<hbm>> -> memref<128xi32, #tpu.memory_space<hbm>>
      %dma_start3A_152 = tpu.memref_slice %arg2[%add3A_150] : memref<327680xi32, #tpu.memory_space<hbm>> -> memref<128xi32, #tpu.memory_space<hbm>>
      tpu.enqueue_dma source(%dma_start3A_152 : memref<128xi32, #tpu.memory_space<hbm>>) target(%arg10 : memref<128xi32, #tpu.memory_space<vmem>>) target_semaphore(%arg21 : memref<!tpu.dma_semaphore, #tpu.memory_space<semaphore_mem>>)
      %add3A_153 = arith.constant 896 : i32
      %add3A_154 = arith.addi %add3A_125, %add3A_153 : i32
      %dma_start3A_155 = tpu.memref_slice %arg2[%add3A_154] : memref<327680xi32, #tpu.memory_space<hbm>> -> memref<128xi32, #tpu.memory_space<hbm>>
      %dma_start3A_156 = tpu.memref_slice %arg2[%add3A_154] : memref<327680xi32, #tpu.memory_space<hbm>> -> memref<128xi32, #tpu.memory_space<hbm>>
      tpu.enqueue_dma source(%dma_start3A_156 : memref<128xi32, #tpu.memory_space<hbm>>) target(%arg11 : memref<128xi32, #tpu.memory_space<vmem>>) target_semaphore(%arg22 : memref<!tpu.dma_semaphore, #tpu.memory_space<semaphore_mem>>)
      %dma_wait3A = tpu.memref_slice %arg2[%add3A_127] : memref<327680xi32, #tpu.memory_space<hbm>> -> memref<128xi32, #tpu.memory_space<hbm>>
      %dma_wait3A_157 = tpu.memref_slice %arg2[%add3A_127] : memref<327680xi32, #tpu.memory_space<hbm>> -> memref<128xi32, #tpu.memory_space<hbm>>
      tpu.wait_dma2 semaphore(%arg15 : memref<!tpu.dma_semaphore, #tpu.memory_space<semaphore_mem>>) src(%dma_wait3A_157 : memref<128xi32, #tpu.memory_space<hbm>>) dst(%arg4 : memref<128xi32, #tpu.memory_space<vmem>>)
      %dma_start3A_158 = arith.constant 0 : i32
      %dma_start3A_159 = tpu.memref_slice %arg14[%dma_start3A_158] : memref<10240xf32, #tpu.memory_space<vmem_shared>> -> memref<10240xf32, #tpu.memory_space<vmem_shared>>
      tpu.enqueue_indirect_dma source(%arg12 : memref<128xf32, #tpu.memory_space<vmem>>) target(%dma_start3A_159 : memref<10240xf32, #tpu.memory_space<vmem_shared>>) offsets(%arg4 : memref<128xi32, #tpu.memory_space<vmem>>) semaphore(%arg23 : memref<!tpu.dma_semaphore, #tpu.memory_space<semaphore_mem>>) {add = true}
      %dma_wait3A_160 = tpu.memref_slice %arg2[%add3A_130] : memref<327680xi32, #tpu.memory_space<hbm>> -> memref<128xi32, #tpu.memory_space<hbm>>
      %dma_wait3A_161 = tpu.memref_slice %arg2[%add3A_130] : memref<327680xi32, #tpu.memory_space<hbm>> -> memref<128xi32, #tpu.memory_space<hbm>>
      tpu.wait_dma2 semaphore(%arg16 : memref<!tpu.dma_semaphore, #tpu.memory_space<semaphore_mem>>) src(%dma_wait3A_161 : memref<128xi32, #tpu.memory_space<hbm>>) dst(%arg5 : memref<128xi32, #tpu.memory_space<vmem>>)
      %dma_start3A_162 = arith.constant 0 : i32
      %dma_start3A_163 = tpu.memref_slice %arg14[%dma_start3A_162] : memref<10240xf32, #tpu.memory_space<vmem_shared>> -> memref<10240xf32, #tpu.memory_space<vmem_shared>>
      tpu.enqueue_indirect_dma source(%arg12 : memref<128xf32, #tpu.memory_space<vmem>>) target(%dma_start3A_163 : memref<10240xf32, #tpu.memory_space<vmem_shared>>) offsets(%arg5 : memref<128xi32, #tpu.memory_space<vmem>>) semaphore(%arg24 : memref<!tpu.dma_semaphore, #tpu.memory_space<semaphore_mem>>) {add = true}
      %dma_wait3A_164 = tpu.memref_slice %arg2[%add3A_134] : memref<327680xi32, #tpu.memory_space<hbm>> -> memref<128xi32, #tpu.memory_space<hbm>>
      %dma_wait3A_165 = tpu.memref_slice %arg2[%add3A_134] : memref<327680xi32, #tpu.memory_space<hbm>> -> memref<128xi32, #tpu.memory_space<hbm>>
      tpu.wait_dma2 semaphore(%arg17 : memref<!tpu.dma_semaphore, #tpu.memory_space<semaphore_mem>>) src(%dma_wait3A_165 : memref<128xi32, #tpu.memory_space<hbm>>) dst(%arg6 : memref<128xi32, #tpu.memory_space<vmem>>)
      %dma_start3A_166 = arith.constant 0 : i32
      %dma_start3A_167 = tpu.memref_slice %arg14[%dma_start3A_166] : memref<10240xf32, #tpu.memory_space<vmem_shared>> -> memref<10240xf32, #tpu.memory_space<vmem_shared>>
      tpu.enqueue_indirect_dma source(%arg12 : memref<128xf32, #tpu.memory_space<vmem>>) target(%dma_start3A_167 : memref<10240xf32, #tpu.memory_space<vmem_shared>>) offsets(%arg6 : memref<128xi32, #tpu.memory_space<vmem>>) semaphore(%arg25 : memref<!tpu.dma_semaphore, #tpu.memory_space<semaphore_mem>>) {add = true}
      %dma_wait3A_168 = tpu.memref_slice %arg2[%add3A_138] : memref<327680xi32, #tpu.memory_space<hbm>> -> memref<128xi32, #tpu.memory_space<hbm>>
      %dma_wait3A_169 = tpu.memref_slice %arg2[%add3A_138] : memref<327680xi32, #tpu.memory_space<hbm>> -> memref<128xi32, #tpu.memory_space<hbm>>
      tpu.wait_dma2 semaphore(%arg18 : memref<!tpu.dma_semaphore, #tpu.memory_space<semaphore_mem>>) src(%dma_wait3A_169 : memref<128xi32, #tpu.memory_space<hbm>>) dst(%arg7 : memref<128xi32, #tpu.memory_space<vmem>>)
      %dma_start3A_170 = arith.constant 0 : i32
      %dma_start3A_171 = tpu.memref_slice %arg14[%dma_start3A_170] : memref<10240xf32, #tpu.memory_space<vmem_shared>> -> memref<10240xf32, #tpu.memory_space<vmem_shared>>
      tpu.enqueue_indirect_dma source(%arg12 : memref<128xf32, #tpu.memory_space<vmem>>) target(%dma_start3A_171 : memref<10240xf32, #tpu.memory_space<vmem_shared>>) offsets(%arg7 : memref<128xi32, #tpu.memory_space<vmem>>) semaphore(%arg26 : memref<!tpu.dma_semaphore, #tpu.memory_space<semaphore_mem>>) {add = true}
      %dma_wait3A_172 = tpu.memref_slice %arg2[%add3A_142] : memref<327680xi32, #tpu.memory_space<hbm>> -> memref<128xi32, #tpu.memory_space<hbm>>
      %dma_wait3A_173 = tpu.memref_slice %arg2[%add3A_142] : memref<327680xi32, #tpu.memory_space<hbm>> -> memref<128xi32, #tpu.memory_space<hbm>>
      tpu.wait_dma2 semaphore(%arg19 : memref<!tpu.dma_semaphore, #tpu.memory_space<semaphore_mem>>) src(%dma_wait3A_173 : memref<128xi32, #tpu.memory_space<hbm>>) dst(%arg8 : memref<128xi32, #tpu.memory_space<vmem>>)
      %dma_start3A_174 = arith.constant 0 : i32
      %dma_start3A_175 = tpu.memref_slice %arg14[%dma_start3A_174] : memref<10240xf32, #tpu.memory_space<vmem_shared>> -> memref<10240xf32, #tpu.memory_space<vmem_shared>>
      tpu.enqueue_indirect_dma source(%arg12 : memref<128xf32, #tpu.memory_space<vmem>>) target(%dma_start3A_175 : memref<10240xf32, #tpu.memory_space<vmem_shared>>) offsets(%arg8 : memref<128xi32, #tpu.memory_space<vmem>>) semaphore(%arg27 : memref<!tpu.dma_semaphore, #tpu.memory_space<semaphore_mem>>) {add = true}
      %dma_wait3A_176 = tpu.memref_slice %arg2[%add3A_146] : memref<327680xi32, #tpu.memory_space<hbm>> -> memref<128xi32, #tpu.memory_space<hbm>>
      %dma_wait3A_177 = tpu.memref_slice %arg2[%add3A_146] : memref<327680xi32, #tpu.memory_space<hbm>> -> memref<128xi32, #tpu.memory_space<hbm>>
      tpu.wait_dma2 semaphore(%arg20 : memref<!tpu.dma_semaphore, #tpu.memory_space<semaphore_mem>>) src(%dma_wait3A_177 : memref<128xi32, #tpu.memory_space<hbm>>) dst(%arg9 : memref<128xi32, #tpu.memory_space<vmem>>)
      %dma_start3A_178 = arith.constant 0 : i32
      %dma_start3A_179 = tpu.memref_slice %arg14[%dma_start3A_178] : memref<10240xf32, #tpu.memory_space<vmem_shared>> -> memref<10240xf32, #tpu.memory_space<vmem_shared>>
      tpu.enqueue_indirect_dma source(%arg12 : memref<128xf32, #tpu.memory_space<vmem>>) target(%dma_start3A_179 : memref<10240xf32, #tpu.memory_space<vmem_shared>>) offsets(%arg9 : memref<128xi32, #tpu.memory_space<vmem>>) semaphore(%arg28 : memref<!tpu.dma_semaphore, #tpu.memory_space<semaphore_mem>>) {add = true}
      %dma_wait3A_180 = tpu.memref_slice %arg2[%add3A_150] : memref<327680xi32, #tpu.memory_space<hbm>> -> memref<128xi32, #tpu.memory_space<hbm>>
      %dma_wait3A_181 = tpu.memref_slice %arg2[%add3A_150] : memref<327680xi32, #tpu.memory_space<hbm>> -> memref<128xi32, #tpu.memory_space<hbm>>
      tpu.wait_dma2 semaphore(%arg21 : memref<!tpu.dma_semaphore, #tpu.memory_space<semaphore_mem>>) src(%dma_wait3A_181 : memref<128xi32, #tpu.memory_space<hbm>>) dst(%arg10 : memref<128xi32, #tpu.memory_space<vmem>>)
      %dma_start3A_182 = arith.constant 0 : i32
      %dma_start3A_183 = tpu.memref_slice %arg14[%dma_start3A_182] : memref<10240xf32, #tpu.memory_space<vmem_shared>> -> memref<10240xf32, #tpu.memory_space<vmem_shared>>
      tpu.enqueue_indirect_dma source(%arg12 : memref<128xf32, #tpu.memory_space<vmem>>) target(%dma_start3A_183 : memref<10240xf32, #tpu.memory_space<vmem_shared>>) offsets(%arg10 : memref<128xi32, #tpu.memory_space<vmem>>) semaphore(%arg29 : memref<!tpu.dma_semaphore, #tpu.memory_space<semaphore_mem>>) {add = true}
      %dma_wait3A_184 = tpu.memref_slice %arg2[%add3A_154] : memref<327680xi32, #tpu.memory_space<hbm>> -> memref<128xi32, #tpu.memory_space<hbm>>
      %dma_wait3A_185 = tpu.memref_slice %arg2[%add3A_154] : memref<327680xi32, #tpu.memory_space<hbm>> -> memref<128xi32, #tpu.memory_space<hbm>>
      tpu.wait_dma2 semaphore(%arg22 : memref<!tpu.dma_semaphore, #tpu.memory_space<semaphore_mem>>) src(%dma_wait3A_185 : memref<128xi32, #tpu.memory_space<hbm>>) dst(%arg11 : memref<128xi32, #tpu.memory_space<vmem>>)
      %dma_start3A_186 = arith.constant 0 : i32
      %dma_start3A_187 = tpu.memref_slice %arg14[%dma_start3A_186] : memref<10240xf32, #tpu.memory_space<vmem_shared>> -> memref<10240xf32, #tpu.memory_space<vmem_shared>>
      tpu.enqueue_indirect_dma source(%arg12 : memref<128xf32, #tpu.memory_space<vmem>>) target(%dma_start3A_187 : memref<10240xf32, #tpu.memory_space<vmem_shared>>) offsets(%arg11 : memref<128xi32, #tpu.memory_space<vmem>>) semaphore(%arg30 : memref<!tpu.dma_semaphore, #tpu.memory_space<semaphore_mem>>) {add = true}
      %dma_wait3A_188 = arith.constant 0 : i32
      %dma_wait3A_189 = tpu.memref_slice %arg14[%dma_wait3A_188] : memref<10240xf32, #tpu.memory_space<vmem_shared>> -> memref<10240xf32, #tpu.memory_space<vmem_shared>>
      tpu.wait_indirect_dma semaphore(%arg23 : memref<!tpu.dma_semaphore, #tpu.memory_space<semaphore_mem>>) src(%arg12 : memref<128xf32, #tpu.memory_space<vmem>>) dst(%dma_wait3A_189 : memref<10240xf32, #tpu.memory_space<vmem_shared>>)
      %dma_wait3A_190 = arith.constant 0 : i32
      %dma_wait3A_191 = tpu.memref_slice %arg14[%dma_wait3A_190] : memref<10240xf32, #tpu.memory_space<vmem_shared>> -> memref<10240xf32, #tpu.memory_space<vmem_shared>>
      tpu.wait_indirect_dma semaphore(%arg24 : memref<!tpu.dma_semaphore, #tpu.memory_space<semaphore_mem>>) src(%arg12 : memref<128xf32, #tpu.memory_space<vmem>>) dst(%dma_wait3A_191 : memref<10240xf32, #tpu.memory_space<vmem_shared>>)
      %dma_wait3A_192 = arith.constant 0 : i32
      %dma_wait3A_193 = tpu.memref_slice %arg14[%dma_wait3A_192] : memref<10240xf32, #tpu.memory_space<vmem_shared>> -> memref<10240xf32, #tpu.memory_space<vmem_shared>>
      tpu.wait_indirect_dma semaphore(%arg25 : memref<!tpu.dma_semaphore, #tpu.memory_space<semaphore_mem>>) src(%arg12 : memref<128xf32, #tpu.memory_space<vmem>>) dst(%dma_wait3A_193 : memref<10240xf32, #tpu.memory_space<vmem_shared>>)
      %dma_wait3A_194 = arith.constant 0 : i32
      %dma_wait3A_195 = tpu.memref_slice %arg14[%dma_wait3A_194] : memref<10240xf32, #tpu.memory_space<vmem_shared>> -> memref<10240xf32, #tpu.memory_space<vmem_shared>>
      tpu.wait_indirect_dma semaphore(%arg26 : memref<!tpu.dma_semaphore, #tpu.memory_space<semaphore_mem>>) src(%arg12 : memref<128xf32, #tpu.memory_space<vmem>>) dst(%dma_wait3A_195 : memref<10240xf32, #tpu.memory_space<vmem_shared>>)
      %dma_wait3A_196 = arith.constant 0 : i32
      %dma_wait3A_197 = tpu.memref_slice %arg14[%dma_wait3A_196] : memref<10240xf32, #tpu.memory_space<vmem_shared>> -> memref<10240xf32, #tpu.memory_space<vmem_shared>>
      tpu.wait_indirect_dma semaphore(%arg27 : memref<!tpu.dma_semaphore, #tpu.memory_space<semaphore_mem>>) src(%arg12 : memref<128xf32, #tpu.memory_space<vmem>>) dst(%dma_wait3A_197 : memref<10240xf32, #tpu.memory_space<vmem_shared>>)
      %dma_wait3A_198 = arith.constant 0 : i32
      %dma_wait3A_199 = tpu.memref_slice %arg14[%dma_wait3A_198] : memref<10240xf32, #tpu.memory_space<vmem_shared>> -> memref<10240xf32, #tpu.memory_space<vmem_shared>>
      tpu.wait_indirect_dma semaphore(%arg28 : memref<!tpu.dma_semaphore, #tpu.memory_space<semaphore_mem>>) src(%arg12 : memref<128xf32, #tpu.memory_space<vmem>>) dst(%dma_wait3A_199 : memref<10240xf32, #tpu.memory_space<vmem_shared>>)
      %dma_wait3A_200 = arith.constant 0 : i32
      %dma_wait3A_201 = tpu.memref_slice %arg14[%dma_wait3A_200] : memref<10240xf32, #tpu.memory_space<vmem_shared>> -> memref<10240xf32, #tpu.memory_space<vmem_shared>>
      tpu.wait_indirect_dma semaphore(%arg29 : memref<!tpu.dma_semaphore, #tpu.memory_space<semaphore_mem>>) src(%arg12 : memref<128xf32, #tpu.memory_space<vmem>>) dst(%dma_wait3A_201 : memref<10240xf32, #tpu.memory_space<vmem_shared>>)
      %dma_wait3A_202 = arith.constant 0 : i32
      %dma_wait3A_203 = tpu.memref_slice %arg14[%dma_wait3A_202] : memref<10240xf32, #tpu.memory_space<vmem_shared>> -> memref<10240xf32, #tpu.memory_space<vmem_shared>>
      tpu.wait_indirect_dma semaphore(%arg30 : memref<!tpu.dma_semaphore, #tpu.memory_space<semaphore_mem>>) src(%arg12 : memref<128xf32, #tpu.memory_space<vmem>>) dst(%dma_wait3A_203 : memref<10240xf32, #tpu.memory_space<vmem_shared>>)
    }
    %scan3A_114 = arith.constant 10 : i32
    %barrier3A_115 = arith.constant 0 : index
    tpu.barrier barrier_id(%barrier3A_115)
    %mul3A_116 = arith.constant 10240 : i32
    %mul3A_117 = arith.muli %arg0, %mul3A_116 : i32
    %add3A_118 = arith.addi %mul3A_117, %multiple_of3A : i32
    %multiple_of3A_119 = tpu.assume_multiple %add3A_118, 128 : i32
    "tpu.region"() ({
      %run_scoped3A = tpu.sem_alloc : memref<!tpu.dma_semaphore, #tpu.memory_space<semaphore_mem>>
      %dma_start3A = tpu.memref_slice %arg3[%multiple_of3A_119] : memref<20480xf32, #tpu.memory_space<hbm>> -> memref<640xf32, #tpu.memory_space<hbm>>
      %dma_start3A_120 = tpu.memref_slice %arg14[%multiple_of3A] : memref<10240xf32, #tpu.memory_space<vmem_shared>> -> memref<640xf32, #tpu.memory_space<vmem_shared>>
      tpu.enqueue_dma source(%dma_start3A_120 : memref<640xf32, #tpu.memory_space<vmem_shared>>) target(%dma_start3A : memref<640xf32, #tpu.memory_space<hbm>>) target_semaphore(%run_scoped3A : memref<!tpu.dma_semaphore, #tpu.memory_space<semaphore_mem>>)
      %dma_wait3A = tpu.memref_slice %arg3[%multiple_of3A_119] : memref<20480xf32, #tpu.memory_space<hbm>> -> memref<640xf32, #tpu.memory_space<hbm>>
      %dma_wait3A_121 = tpu.memref_slice %arg14[%multiple_of3A] : memref<10240xf32, #tpu.memory_space<vmem_shared>> -> memref<640xf32, #tpu.memory_space<vmem_shared>>
      tpu.wait_dma2 semaphore(%run_scoped3A : memref<!tpu.dma_semaphore, #tpu.memory_space<semaphore_mem>>) src(%dma_wait3A_121 : memref<640xf32, #tpu.memory_space<vmem_shared>>) dst(%dma_wait3A : memref<640xf32, #tpu.memory_space<hbm>>)
      tpu.yield
    }) : () -> ()
    return
  }
}

#map = affine_map<(d0, d1) -> (0, 0)>
#map1 = affine_map<(d0, d1) -> (0)>
module attributes {stable_mosaic.version = 14 : i64} {
  func.func @_gather_scatter_kernel(%arg0: i32, %arg1: i32, %arg2: memref<10000x128xf32, #tpu.memory_space<hbm>>, %arg3: memref<327680xi32, #tpu.memory_space<hbm>>, %arg4: memref<327680xi32, #tpu.memory_space<hbm>>, %arg5: memref<20480x128xf32, #tpu.memory_space<hbm>>, %arg6: memref<128xi32, #tpu.memory_space<vmem>>, %arg7: memref<128xi32, #tpu.memory_space<vmem>>, %arg8: memref<128xi32, #tpu.memory_space<vmem>>, %arg9: memref<128xi32, #tpu.memory_space<vmem>>, %arg10: memref<2x128x128xf32, #tpu.memory_space<vmem>>, %arg11: memref<10240x128xf32, #tpu.memory_space<vmem_shared>>, %arg12: memref<!tpu.dma_semaphore, #tpu.memory_space<semaphore_mem>>, %arg13: memref<!tpu.dma_semaphore, #tpu.memory_space<semaphore_mem>>, %arg14: memref<!tpu.dma_semaphore, #tpu.memory_space<semaphore_mem>>, %arg15: memref<!tpu.dma_semaphore, #tpu.memory_space<semaphore_mem>>, %arg16: memref<!tpu.dma_semaphore, #tpu.memory_space<semaphore_mem>>, %arg17: memref<!tpu.dma_semaphore, #tpu.memory_space<semaphore_mem>>, %arg18: memref<!tpu.dma_semaphore, #tpu.memory_space<semaphore_mem>>, %arg19: memref<!tpu.dma_semaphore, #tpu.memory_space<semaphore_mem>>) attributes {dimension_semantics = [#tpu.dimension_semantics<core_parallel>, #tpu.dimension_semantics<subcore_parallel>], iteration_bounds = array<i64: 2, 16>, scalar_prefetch = 0 : i64, scratch_operands = 14 : i64, tpu.core_type = #tpu.core_type<sc_vector_subcore>, window_params = [{transform_indices = #map}, {transform_indices = #map1}, {transform_indices = #map1}, {transform_indices = #map}]} {
    %mul3A = arith.constant 640 : i32
    %mul3A_0 = arith.muli %arg1, %mul3A : i32
    %multiple_of3A = tpu.assume_multiple %mul3A_0, 128 : i32
    %scan3A = arith.constant 0 : i32
    %scan3A_1 = arith.constant 128 : i32
    %scan3A_2 = arith.addi %scan3A, %scan3A_1 : i32
    %scan3A_3 = arith.constant 1 : i32
    scf.for %scan3A_124 = %scan3A to %scan3A_2 step %scan3A_3  : i32 {
      %broadcast_in_dim3A = arith.constant 0.000000e+00 : f32
      %broadcast_in_dim3A_125 = vector.broadcast %broadcast_in_dim3A : f32 to vector<16xf32>
      %swap3A = arith.constant 0 : i32
      %swap3A_126 = arith.index_cast %swap3A : i32 to index
      %swap3A_127 = arith.index_cast %scan3A_124 : i32 to index
      %swap3A_128 = arith.constant 0 : index
      %swap3A_129 = tpu.vector_load %arg10[%swap3A_126, %swap3A_127, %swap3A_128] {strides = array<i32>} : memref<2x128x128xf32, #tpu.memory_space<vmem>>, vector<1x1x16xf32>,
      %swap3A_130 = vector.shape_cast %swap3A_129 : vector<1x1x16xf32> to vector<16xf32>
      %swap3A_131 = vector.shape_cast %broadcast_in_dim3A_125 : vector<16xf32> to vector<1x1x16xf32>
      tpu.vector_store %arg10[%swap3A_126, %swap3A_127, %swap3A_128], %swap3A_131 {strides = array<i32>} : memref<2x128x128xf32, #tpu.memory_space<vmem>>, vector<1x1x16xf32>,
      %broadcast_in_dim3A_132 = arith.constant 0.000000e+00 : f32
      %broadcast_in_dim3A_133 = vector.broadcast %broadcast_in_dim3A_132 : f32 to vector<16xf32>
      %swap3A_134 = arith.constant 0 : i32
      %swap3A_135 = arith.index_cast %swap3A_134 : i32 to index
      %swap3A_136 = arith.index_cast %scan3A_124 : i32 to index
      %swap3A_137 = arith.constant 16 : index
      %swap3A_138 = tpu.vector_load %arg10[%swap3A_135, %swap3A_136, %swap3A_137] {strides = array<i32>} : memref<2x128x128xf32, #tpu.memory_space<vmem>>, vector<1x1x16xf32>,
      %swap3A_139 = vector.shape_cast %swap3A_138 : vector<1x1x16xf32> to vector<16xf32>
      %swap3A_140 = vector.shape_cast %broadcast_in_dim3A_133 : vector<16xf32> to vector<1x1x16xf32>
      tpu.vector_store %arg10[%swap3A_135, %swap3A_136, %swap3A_137], %swap3A_140 {strides = array<i32>} : memref<2x128x128xf32, #tpu.memory_space<vmem>>, vector<1x1x16xf32>,
      %broadcast_in_dim3A_141 = arith.constant 0.000000e+00 : f32
      %broadcast_in_dim3A_142 = vector.broadcast %broadcast_in_dim3A_141 : f32 to vector<16xf32>
      %swap3A_143 = arith.constant 0 : i32
      %swap3A_144 = arith.index_cast %swap3A_143 : i32 to index
      %swap3A_145 = arith.index_cast %scan3A_124 : i32 to index
      %swap3A_146 = arith.constant 32 : index
      %swap3A_147 = tpu.vector_load %arg10[%swap3A_144, %swap3A_145, %swap3A_146] {strides = array<i32>} : memref<2x128x128xf32, #tpu.memory_space<vmem>>, vector<1x1x16xf32>,
      %swap3A_148 = vector.shape_cast %swap3A_147 : vector<1x1x16xf32> to vector<16xf32>
      %swap3A_149 = vector.shape_cast %broadcast_in_dim3A_142 : vector<16xf32> to vector<1x1x16xf32>
      tpu.vector_store %arg10[%swap3A_144, %swap3A_145, %swap3A_146], %swap3A_149 {strides = array<i32>} : memref<2x128x128xf32, #tpu.memory_space<vmem>>, vector<1x1x16xf32>,
      %broadcast_in_dim3A_150 = arith.constant 0.000000e+00 : f32
      %broadcast_in_dim3A_151 = vector.broadcast %broadcast_in_dim3A_150 : f32 to vector<16xf32>
      %swap3A_152 = arith.constant 0 : i32
      %swap3A_153 = arith.index_cast %swap3A_152 : i32 to index
      %swap3A_154 = arith.index_cast %scan3A_124 : i32 to index
      %swap3A_155 = arith.constant 48 : index
      %swap3A_156 = tpu.vector_load %arg10[%swap3A_153, %swap3A_154, %swap3A_155] {strides = array<i32>} : memref<2x128x128xf32, #tpu.memory_space<vmem>>, vector<1x1x16xf32>,
      %swap3A_157 = vector.shape_cast %swap3A_156 : vector<1x1x16xf32> to vector<16xf32>
      %swap3A_158 = vector.shape_cast %broadcast_in_dim3A_151 : vector<16xf32> to vector<1x1x16xf32>
      tpu.vector_store %arg10[%swap3A_153, %swap3A_154, %swap3A_155], %swap3A_158 {strides = array<i32>} : memref<2x128x128xf32, #tpu.memory_space<vmem>>, vector<1x1x16xf32>,
      %broadcast_in_dim3A_159 = arith.constant 0.000000e+00 : f32
      %broadcast_in_dim3A_160 = vector.broadcast %broadcast_in_dim3A_159 : f32 to vector<16xf32>
      %swap3A_161 = arith.constant 0 : i32
      %swap3A_162 = arith.index_cast %swap3A_161 : i32 to index
      %swap3A_163 = arith.index_cast %scan3A_124 : i32 to index
      %swap3A_164 = arith.constant 64 : index
      %swap3A_165 = tpu.vector_load %arg10[%swap3A_162, %swap3A_163, %swap3A_164] {strides = array<i32>} : memref<2x128x128xf32, #tpu.memory_space<vmem>>, vector<1x1x16xf32>,
      %swap3A_166 = vector.shape_cast %swap3A_165 : vector<1x1x16xf32> to vector<16xf32>
      %swap3A_167 = vector.shape_cast %broadcast_in_dim3A_160 : vector<16xf32> to vector<1x1x16xf32>
      tpu.vector_store %arg10[%swap3A_162, %swap3A_163, %swap3A_164], %swap3A_167 {strides = array<i32>} : memref<2x128x128xf32, #tpu.memory_space<vmem>>, vector<1x1x16xf32>,
      %broadcast_in_dim3A_168 = arith.constant 0.000000e+00 : f32
      %broadcast_in_dim3A_169 = vector.broadcast %broadcast_in_dim3A_168 : f32 to vector<16xf32>
      %swap3A_170 = arith.constant 0 : i32
      %swap3A_171 = arith.index_cast %swap3A_170 : i32 to index
      %swap3A_172 = arith.index_cast %scan3A_124 : i32 to index
      %swap3A_173 = arith.constant 80 : index
      %swap3A_174 = tpu.vector_load %arg10[%swap3A_171, %swap3A_172, %swap3A_173] {strides = array<i32>} : memref<2x128x128xf32, #tpu.memory_space<vmem>>, vector<1x1x16xf32>,
      %swap3A_175 = vector.shape_cast %swap3A_174 : vector<1x1x16xf32> to vector<16xf32>
      %swap3A_176 = vector.shape_cast %broadcast_in_dim3A_169 : vector<16xf32> to vector<1x1x16xf32>
      tpu.vector_store %arg10[%swap3A_171, %swap3A_172, %swap3A_173], %swap3A_176 {strides = array<i32>} : memref<2x128x128xf32, #tpu.memory_space<vmem>>, vector<1x1x16xf32>,
      %broadcast_in_dim3A_177 = arith.constant 0.000000e+00 : f32
      %broadcast_in_dim3A_178 = vector.broadcast %broadcast_in_dim3A_177 : f32 to vector<16xf32>
      %swap3A_179 = arith.constant 0 : i32
      %swap3A_180 = arith.index_cast %swap3A_179 : i32 to index
      %swap3A_181 = arith.index_cast %scan3A_124 : i32 to index
      %swap3A_182 = arith.constant 96 : index
      %swap3A_183 = tpu.vector_load %arg10[%swap3A_180, %swap3A_181, %swap3A_182] {strides = array<i32>} : memref<2x128x128xf32, #tpu.memory_space<vmem>>, vector<1x1x16xf32>,
      %swap3A_184 = vector.shape_cast %swap3A_183 : vector<1x1x16xf32> to vector<16xf32>
      %swap3A_185 = vector.shape_cast %broadcast_in_dim3A_178 : vector<16xf32> to vector<1x1x16xf32>
      tpu.vector_store %arg10[%swap3A_180, %swap3A_181, %swap3A_182], %swap3A_185 {strides = array<i32>} : memref<2x128x128xf32, #tpu.memory_space<vmem>>, vector<1x1x16xf32>,
      %broadcast_in_dim3A_186 = arith.constant 0.000000e+00 : f32
      %broadcast_in_dim3A_187 = vector.broadcast %broadcast_in_dim3A_186 : f32 to vector<16xf32>
      %swap3A_188 = arith.constant 0 : i32
      %swap3A_189 = arith.index_cast %swap3A_188 : i32 to index
      %swap3A_190 = arith.index_cast %scan3A_124 : i32 to index
      %swap3A_191 = arith.constant 112 : index
      %swap3A_192 = tpu.vector_load %arg10[%swap3A_189, %swap3A_190, %swap3A_191] {strides = array<i32>} : memref<2x128x128xf32, #tpu.memory_space<vmem>>, vector<1x1x16xf32>,
      %swap3A_193 = vector.shape_cast %swap3A_192 : vector<1x1x16xf32> to vector<16xf32>
      %swap3A_194 = vector.shape_cast %broadcast_in_dim3A_187 : vector<16xf32> to vector<1x1x16xf32>
      tpu.vector_store %arg10[%swap3A_189, %swap3A_190, %swap3A_191], %swap3A_194 {strides = array<i32>} : memref<2x128x128xf32, #tpu.memory_space<vmem>>, vector<1x1x16xf32>,
    }
    %scan3A_4 = arith.constant 128 : i32
    %add3A = arith.constant 0 : i32
    %add3A_5 = arith.addi %multiple_of3A, %add3A : i32
    %run_scoped3A = arith.constant 0 : i32
    "tpu.region"() ({
      %run_scoped3A_124 = tpu.sem_alloc : memref<!tpu.dma_semaphore, #tpu.memory_space<semaphore_mem>>
      %dma_start3A_125 = arith.constant 0 : i32
      %dma_start3A_126 = arith.constant 0 : i32
      %dma_start3A_127 = tpu.memref_slice %arg10[%run_scoped3A, %dma_start3A_125, %dma_start3A_126] : memref<2x128x128xf32, #tpu.memory_space<vmem>> -> memref<1x128x128xf32, #tpu.memory_space<vmem>>
      %dma_start3A_128 = tpu.memref_squeeze %dma_start3A_127 : memref<1x128x128xf32, #tpu.memory_space<vmem>> -> memref<128x128xf32, #tpu.memory_space<vmem>>
      %dma_start3A_129 = arith.constant 0 : i32
      %dma_start3A_130 = tpu.memref_slice %arg11[%add3A_5, %dma_start3A_129] : memref<10240x128xf32, #tpu.memory_space<vmem_shared>> -> memref<128x128xf32, #tpu.memory_space<vmem_shared>>
      %dma_start3A_131 = arith.constant 0 : i32
      %dma_start3A_132 = tpu.memref_slice %arg11[%add3A_5, %dma_start3A_131] : memref<10240x128xf32, #tpu.memory_space<vmem_shared>> -> memref<128x128xf32, #tpu.memory_space<vmem_shared>>
      %dma_start3A_133 = arith.constant 0 : i32
      %dma_start3A_134 = arith.constant 0 : i32
      %dma_start3A_135 = tpu.memref_slice %arg10[%run_scoped3A, %dma_start3A_133, %dma_start3A_134] : memref<2x128x128xf32, #tpu.memory_space<vmem>> -> memref<1x128x128xf32, #tpu.memory_space<vmem>>
      %dma_start3A_136 = tpu.memref_squeeze %dma_start3A_135 : memref<1x128x128xf32, #tpu.memory_space<vmem>> -> memref<128x128xf32, #tpu.memory_space<vmem>>
      tpu.enqueue_dma source(%dma_start3A_136 : memref<128x128xf32, #tpu.memory_space<vmem>>) target(%dma_start3A_132 : memref<128x128xf32, #tpu.memory_space<vmem_shared>>) target_semaphore(%run_scoped3A_124 : memref<!tpu.dma_semaphore, #tpu.memory_space<semaphore_mem>>)
      %dma_wait3A_137 = arith.constant 0 : i32
      %dma_wait3A_138 = arith.constant 0 : i32
      %dma_wait3A_139 = tpu.memref_slice %arg10[%run_scoped3A, %dma_wait3A_137, %dma_wait3A_138] : memref<2x128x128xf32, #tpu.memory_space<vmem>> -> memref<1x128x128xf32, #tpu.memory_space<vmem>>
      %dma_wait3A_140 = tpu.memref_squeeze %dma_wait3A_139 : memref<1x128x128xf32, #tpu.memory_space<vmem>> -> memref<128x128xf32, #tpu.memory_space<vmem>>
      %dma_wait3A_141 = arith.constant 0 : i32
      %dma_wait3A_142 = tpu.memref_slice %arg11[%add3A_5, %dma_wait3A_141] : memref<10240x128xf32, #tpu.memory_space<vmem_shared>> -> memref<128x128xf32, #tpu.memory_space<vmem_shared>>
      %dma_wait3A_143 = arith.constant 0 : i32
      %dma_wait3A_144 = tpu.memref_slice %arg11[%add3A_5, %dma_wait3A_143] : memref<10240x128xf32, #tpu.memory_space<vmem_shared>> -> memref<128x128xf32, #tpu.memory_space<vmem_shared>>
      %dma_wait3A_145 = arith.constant 0 : i32
      %dma_wait3A_146 = arith.constant 0 : i32
      %dma_wait3A_147 = tpu.memref_slice %arg10[%run_scoped3A, %dma_wait3A_145, %dma_wait3A_146] : memref<2x128x128xf32, #tpu.memory_space<vmem>> -> memref<1x128x128xf32, #tpu.memory_space<vmem>>
      %dma_wait3A_148 = tpu.memref_squeeze %dma_wait3A_147 : memref<1x128x128xf32, #tpu.memory_space<vmem>> -> memref<128x128xf32, #tpu.memory_space<vmem>>
      tpu.wait_dma2 semaphore(%run_scoped3A_124 : memref<!tpu.dma_semaphore, #tpu.memory_space<semaphore_mem>>) src(%dma_wait3A_148 : memref<128x128xf32, #tpu.memory_space<vmem>>) dst(%dma_wait3A_144 : memref<128x128xf32, #tpu.memory_space<vmem_shared>>)
      tpu.yield
    }) : () -> ()
    %add3A_6 = arith.constant 128 : i32
    %add3A_7 = arith.addi %multiple_of3A, %add3A_6 : i32
    %run_scoped3A_8 = arith.constant 0 : i32
    "tpu.region"() ({
      %run_scoped3A_124 = tpu.sem_alloc : memref<!tpu.dma_semaphore, #tpu.memory_space<semaphore_mem>>
      %dma_start3A_125 = arith.constant 0 : i32
      %dma_start3A_126 = arith.constant 0 : i32
      %dma_start3A_127 = tpu.memref_slice %arg10[%run_scoped3A_8, %dma_start3A_125, %dma_start3A_126] : memref<2x128x128xf32, #tpu.memory_space<vmem>> -> memref<1x128x128xf32, #tpu.memory_space<vmem>>
      %dma_start3A_128 = tpu.memref_squeeze %dma_start3A_127 : memref<1x128x128xf32, #tpu.memory_space<vmem>> -> memref<128x128xf32, #tpu.memory_space<vmem>>
      %dma_start3A_129 = arith.constant 0 : i32
      %dma_start3A_130 = tpu.memref_slice %arg11[%add3A_7, %dma_start3A_129] : memref<10240x128xf32, #tpu.memory_space<vmem_shared>> -> memref<128x128xf32, #tpu.memory_space<vmem_shared>>
      %dma_start3A_131 = arith.constant 0 : i32
      %dma_start3A_132 = tpu.memref_slice %arg11[%add3A_7, %dma_start3A_131] : memref<10240x128xf32, #tpu.memory_space<vmem_shared>> -> memref<128x128xf32, #tpu.memory_space<vmem_shared>>
      %dma_start3A_133 = arith.constant 0 : i32
      %dma_start3A_134 = arith.constant 0 : i32
      %dma_start3A_135 = tpu.memref_slice %arg10[%run_scoped3A_8, %dma_start3A_133, %dma_start3A_134] : memref<2x128x128xf32, #tpu.memory_space<vmem>> -> memref<1x128x128xf32, #tpu.memory_space<vmem>>
      %dma_start3A_136 = tpu.memref_squeeze %dma_start3A_135 : memref<1x128x128xf32, #tpu.memory_space<vmem>> -> memref<128x128xf32, #tpu.memory_space<vmem>>
      tpu.enqueue_dma source(%dma_start3A_136 : memref<128x128xf32, #tpu.memory_space<vmem>>) target(%dma_start3A_132 : memref<128x128xf32, #tpu.memory_space<vmem_shared>>) target_semaphore(%run_scoped3A_124 : memref<!tpu.dma_semaphore, #tpu.memory_space<semaphore_mem>>)
      %dma_wait3A_137 = arith.constant 0 : i32
      %dma_wait3A_138 = arith.constant 0 : i32
      %dma_wait3A_139 = tpu.memref_slice %arg10[%run_scoped3A_8, %dma_wait3A_137, %dma_wait3A_138] : memref<2x128x128xf32, #tpu.memory_space<vmem>> -> memref<1x128x128xf32, #tpu.memory_space<vmem>>
      %dma_wait3A_140 = tpu.memref_squeeze %dma_wait3A_139 : memref<1x128x128xf32, #tpu.memory_space<vmem>> -> memref<128x128xf32, #tpu.memory_space<vmem>>
      %dma_wait3A_141 = arith.constant 0 : i32
      %dma_wait3A_142 = tpu.memref_slice %arg11[%add3A_7, %dma_wait3A_141] : memref<10240x128xf32, #tpu.memory_space<vmem_shared>> -> memref<128x128xf32, #tpu.memory_space<vmem_shared>>
      %dma_wait3A_143 = arith.constant 0 : i32
      %dma_wait3A_144 = tpu.memref_slice %arg11[%add3A_7, %dma_wait3A_143] : memref<10240x128xf32, #tpu.memory_space<vmem_shared>> -> memref<128x128xf32, #tpu.memory_space<vmem_shared>>
      %dma_wait3A_145 = arith.constant 0 : i32
      %dma_wait3A_146 = arith.constant 0 : i32
      %dma_wait3A_147 = tpu.memref_slice %arg10[%run_scoped3A_8, %dma_wait3A_145, %dma_wait3A_146] : memref<2x128x128xf32, #tpu.memory_space<vmem>> -> memref<1x128x128xf32, #tpu.memory_space<vmem>>
      %dma_wait3A_148 = tpu.memref_squeeze %dma_wait3A_147 : memref<1x128x128xf32, #tpu.memory_space<vmem>> -> memref<128x128xf32, #tpu.memory_space<vmem>>
      tpu.wait_dma2 semaphore(%run_scoped3A_124 : memref<!tpu.dma_semaphore, #tpu.memory_space<semaphore_mem>>) src(%dma_wait3A_148 : memref<128x128xf32, #tpu.memory_space<vmem>>) dst(%dma_wait3A_144 : memref<128x128xf32, #tpu.memory_space<vmem_shared>>)
      tpu.yield
    }) : () -> ()
    %add3A_9 = arith.constant 256 : i32
    %add3A_10 = arith.addi %multiple_of3A, %add3A_9 : i32
    %run_scoped3A_11 = arith.constant 0 : i32
    "tpu.region"() ({
      %run_scoped3A_124 = tpu.sem_alloc : memref<!tpu.dma_semaphore, #tpu.memory_space<semaphore_mem>>
      %dma_start3A_125 = arith.constant 0 : i32
      %dma_start3A_126 = arith.constant 0 : i32
      %dma_start3A_127 = tpu.memref_slice %arg10[%run_scoped3A_11, %dma_start3A_125, %dma_start3A_126] : memref<2x128x128xf32, #tpu.memory_space<vmem>> -> memref<1x128x128xf32, #tpu.memory_space<vmem>>
      %dma_start3A_128 = tpu.memref_squeeze %dma_start3A_127 : memref<1x128x128xf32, #tpu.memory_space<vmem>> -> memref<128x128xf32, #tpu.memory_space<vmem>>
      %dma_start3A_129 = arith.constant 0 : i32
      %dma_start3A_130 = tpu.memref_slice %arg11[%add3A_10, %dma_start3A_129] : memref<10240x128xf32, #tpu.memory_space<vmem_shared>> -> memref<128x128xf32, #tpu.memory_space<vmem_shared>>
      %dma_start3A_131 = arith.constant 0 : i32
      %dma_start3A_132 = tpu.memref_slice %arg11[%add3A_10, %dma_start3A_131] : memref<10240x128xf32, #tpu.memory_space<vmem_shared>> -> memref<128x128xf32, #tpu.memory_space<vmem_shared>>
      %dma_start3A_133 = arith.constant 0 : i32
      %dma_start3A_134 = arith.constant 0 : i32
      %dma_start3A_135 = tpu.memref_slice %arg10[%run_scoped3A_11, %dma_start3A_133, %dma_start3A_134] : memref<2x128x128xf32, #tpu.memory_space<vmem>> -> memref<1x128x128xf32, #tpu.memory_space<vmem>>
      %dma_start3A_136 = tpu.memref_squeeze %dma_start3A_135 : memref<1x128x128xf32, #tpu.memory_space<vmem>> -> memref<128x128xf32, #tpu.memory_space<vmem>>
      tpu.enqueue_dma source(%dma_start3A_136 : memref<128x128xf32, #tpu.memory_space<vmem>>) target(%dma_start3A_132 : memref<128x128xf32, #tpu.memory_space<vmem_shared>>) target_semaphore(%run_scoped3A_124 : memref<!tpu.dma_semaphore, #tpu.memory_space<semaphore_mem>>)
      %dma_wait3A_137 = arith.constant 0 : i32
      %dma_wait3A_138 = arith.constant 0 : i32
      %dma_wait3A_139 = tpu.memref_slice %arg10[%run_scoped3A_11, %dma_wait3A_137, %dma_wait3A_138] : memref<2x128x128xf32, #tpu.memory_space<vmem>> -> memref<1x128x128xf32, #tpu.memory_space<vmem>>
      %dma_wait3A_140 = tpu.memref_squeeze %dma_wait3A_139 : memref<1x128x128xf32, #tpu.memory_space<vmem>> -> memref<128x128xf32, #tpu.memory_space<vmem>>
      %dma_wait3A_141 = arith.constant 0 : i32
      %dma_wait3A_142 = tpu.memref_slice %arg11[%add3A_10, %dma_wait3A_141] : memref<10240x128xf32, #tpu.memory_space<vmem_shared>> -> memref<128x128xf32, #tpu.memory_space<vmem_shared>>
      %dma_wait3A_143 = arith.constant 0 : i32
      %dma_wait3A_144 = tpu.memref_slice %arg11[%add3A_10, %dma_wait3A_143] : memref<10240x128xf32, #tpu.memory_space<vmem_shared>> -> memref<128x128xf32, #tpu.memory_space<vmem_shared>>
      %dma_wait3A_145 = arith.constant 0 : i32
      %dma_wait3A_146 = arith.constant 0 : i32
      %dma_wait3A_147 = tpu.memref_slice %arg10[%run_scoped3A_11, %dma_wait3A_145, %dma_wait3A_146] : memref<2x128x128xf32, #tpu.memory_space<vmem>> -> memref<1x128x128xf32, #tpu.memory_space<vmem>>
      %dma_wait3A_148 = tpu.memref_squeeze %dma_wait3A_147 : memref<1x128x128xf32, #tpu.memory_space<vmem>> -> memref<128x128xf32, #tpu.memory_space<vmem>>
      tpu.wait_dma2 semaphore(%run_scoped3A_124 : memref<!tpu.dma_semaphore, #tpu.memory_space<semaphore_mem>>) src(%dma_wait3A_148 : memref<128x128xf32, #tpu.memory_space<vmem>>) dst(%dma_wait3A_144 : memref<128x128xf32, #tpu.memory_space<vmem_shared>>)
      tpu.yield
    }) : () -> ()
    %add3A_12 = arith.constant 384 : i32
    %add3A_13 = arith.addi %multiple_of3A, %add3A_12 : i32
    %run_scoped3A_14 = arith.constant 0 : i32
    "tpu.region"() ({
      %run_scoped3A_124 = tpu.sem_alloc : memref<!tpu.dma_semaphore, #tpu.memory_space<semaphore_mem>>
      %dma_start3A_125 = arith.constant 0 : i32
      %dma_start3A_126 = arith.constant 0 : i32
      %dma_start3A_127 = tpu.memref_slice %arg10[%run_scoped3A_14, %dma_start3A_125, %dma_start3A_126] : memref<2x128x128xf32, #tpu.memory_space<vmem>> -> memref<1x128x128xf32, #tpu.memory_space<vmem>>
      %dma_start3A_128 = tpu.memref_squeeze %dma_start3A_127 : memref<1x128x128xf32, #tpu.memory_space<vmem>> -> memref<128x128xf32, #tpu.memory_space<vmem>>
      %dma_start3A_129 = arith.constant 0 : i32
      %dma_start3A_130 = tpu.memref_slice %arg11[%add3A_13, %dma_start3A_129] : memref<10240x128xf32, #tpu.memory_space<vmem_shared>> -> memref<128x128xf32, #tpu.memory_space<vmem_shared>>
      %dma_start3A_131 = arith.constant 0 : i32
      %dma_start3A_132 = tpu.memref_slice %arg11[%add3A_13, %dma_start3A_131] : memref<10240x128xf32, #tpu.memory_space<vmem_shared>> -> memref<128x128xf32, #tpu.memory_space<vmem_shared>>
      %dma_start3A_133 = arith.constant 0 : i32
      %dma_start3A_134 = arith.constant 0 : i32
      %dma_start3A_135 = tpu.memref_slice %arg10[%run_scoped3A_14, %dma_start3A_133, %dma_start3A_134] : memref<2x128x128xf32, #tpu.memory_space<vmem>> -> memref<1x128x128xf32, #tpu.memory_space<vmem>>
      %dma_start3A_136 = tpu.memref_squeeze %dma_start3A_135 : memref<1x128x128xf32, #tpu.memory_space<vmem>> -> memref<128x128xf32, #tpu.memory_space<vmem>>
      tpu.enqueue_dma source(%dma_start3A_136 : memref<128x128xf32, #tpu.memory_space<vmem>>) target(%dma_start3A_132 : memref<128x128xf32, #tpu.memory_space<vmem_shared>>) target_semaphore(%run_scoped3A_124 : memref<!tpu.dma_semaphore, #tpu.memory_space<semaphore_mem>>)
      %dma_wait3A_137 = arith.constant 0 : i32
      %dma_wait3A_138 = arith.constant 0 : i32
      %dma_wait3A_139 = tpu.memref_slice %arg10[%run_scoped3A_14, %dma_wait3A_137, %dma_wait3A_138] : memref<2x128x128xf32, #tpu.memory_space<vmem>> -> memref<1x128x128xf32, #tpu.memory_space<vmem>>
      %dma_wait3A_140 = tpu.memref_squeeze %dma_wait3A_139 : memref<1x128x128xf32, #tpu.memory_space<vmem>> -> memref<128x128xf32, #tpu.memory_space<vmem>>
      %dma_wait3A_141 = arith.constant 0 : i32
      %dma_wait3A_142 = tpu.memref_slice %arg11[%add3A_13, %dma_wait3A_141] : memref<10240x128xf32, #tpu.memory_space<vmem_shared>> -> memref<128x128xf32, #tpu.memory_space<vmem_shared>>
      %dma_wait3A_143 = arith.constant 0 : i32
      %dma_wait3A_144 = tpu.memref_slice %arg11[%add3A_13, %dma_wait3A_143] : memref<10240x128xf32, #tpu.memory_space<vmem_shared>> -> memref<128x128xf32, #tpu.memory_space<vmem_shared>>
      %dma_wait3A_145 = arith.constant 0 : i32
      %dma_wait3A_146 = arith.constant 0 : i32
      %dma_wait3A_147 = tpu.memref_slice %arg10[%run_scoped3A_14, %dma_wait3A_145, %dma_wait3A_146] : memref<2x128x128xf32, #tpu.memory_space<vmem>> -> memref<1x128x128xf32, #tpu.memory_space<vmem>>
      %dma_wait3A_148 = tpu.memref_squeeze %dma_wait3A_147 : memref<1x128x128xf32, #tpu.memory_space<vmem>> -> memref<128x128xf32, #tpu.memory_space<vmem>>
      tpu.wait_dma2 semaphore(%run_scoped3A_124 : memref<!tpu.dma_semaphore, #tpu.memory_space<semaphore_mem>>) src(%dma_wait3A_148 : memref<128x128xf32, #tpu.memory_space<vmem>>) dst(%dma_wait3A_144 : memref<128x128xf32, #tpu.memory_space<vmem_shared>>)
      tpu.yield
    }) : () -> ()
    %add3A_15 = arith.constant 512 : i32
    %add3A_16 = arith.addi %multiple_of3A, %add3A_15 : i32
    %run_scoped3A_17 = arith.constant 0 : i32
    "tpu.region"() ({
      %run_scoped3A_124 = tpu.sem_alloc : memref<!tpu.dma_semaphore, #tpu.memory_space<semaphore_mem>>
      %dma_start3A_125 = arith.constant 0 : i32
      %dma_start3A_126 = arith.constant 0 : i32
      %dma_start3A_127 = tpu.memref_slice %arg10[%run_scoped3A_17, %dma_start3A_125, %dma_start3A_126] : memref<2x128x128xf32, #tpu.memory_space<vmem>> -> memref<1x128x128xf32, #tpu.memory_space<vmem>>
      %dma_start3A_128 = tpu.memref_squeeze %dma_start3A_127 : memref<1x128x128xf32, #tpu.memory_space<vmem>> -> memref<128x128xf32, #tpu.memory_space<vmem>>
      %dma_start3A_129 = arith.constant 0 : i32
      %dma_start3A_130 = tpu.memref_slice %arg11[%add3A_16, %dma_start3A_129] : memref<10240x128xf32, #tpu.memory_space<vmem_shared>> -> memref<128x128xf32, #tpu.memory_space<vmem_shared>>
      %dma_start3A_131 = arith.constant 0 : i32
      %dma_start3A_132 = tpu.memref_slice %arg11[%add3A_16, %dma_start3A_131] : memref<10240x128xf32, #tpu.memory_space<vmem_shared>> -> memref<128x128xf32, #tpu.memory_space<vmem_shared>>
      %dma_start3A_133 = arith.constant 0 : i32
      %dma_start3A_134 = arith.constant 0 : i32
      %dma_start3A_135 = tpu.memref_slice %arg10[%run_scoped3A_17, %dma_start3A_133, %dma_start3A_134] : memref<2x128x128xf32, #tpu.memory_space<vmem>> -> memref<1x128x128xf32, #tpu.memory_space<vmem>>
      %dma_start3A_136 = tpu.memref_squeeze %dma_start3A_135 : memref<1x128x128xf32, #tpu.memory_space<vmem>> -> memref<128x128xf32, #tpu.memory_space<vmem>>
      tpu.enqueue_dma source(%dma_start3A_136 : memref<128x128xf32, #tpu.memory_space<vmem>>) target(%dma_start3A_132 : memref<128x128xf32, #tpu.memory_space<vmem_shared>>) target_semaphore(%run_scoped3A_124 : memref<!tpu.dma_semaphore, #tpu.memory_space<semaphore_mem>>)
      %dma_wait3A_137 = arith.constant 0 : i32
      %dma_wait3A_138 = arith.constant 0 : i32
      %dma_wait3A_139 = tpu.memref_slice %arg10[%run_scoped3A_17, %dma_wait3A_137, %dma_wait3A_138] : memref<2x128x128xf32, #tpu.memory_space<vmem>> -> memref<1x128x128xf32, #tpu.memory_space<vmem>>
      %dma_wait3A_140 = tpu.memref_squeeze %dma_wait3A_139 : memref<1x128x128xf32, #tpu.memory_space<vmem>> -> memref<128x128xf32, #tpu.memory_space<vmem>>
      %dma_wait3A_141 = arith.constant 0 : i32
      %dma_wait3A_142 = tpu.memref_slice %arg11[%add3A_16, %dma_wait3A_141] : memref<10240x128xf32, #tpu.memory_space<vmem_shared>> -> memref<128x128xf32, #tpu.memory_space<vmem_shared>>
      %dma_wait3A_143 = arith.constant 0 : i32
      %dma_wait3A_144 = tpu.memref_slice %arg11[%add3A_16, %dma_wait3A_143] : memref<10240x128xf32, #tpu.memory_space<vmem_shared>> -> memref<128x128xf32, #tpu.memory_space<vmem_shared>>
      %dma_wait3A_145 = arith.constant 0 : i32
      %dma_wait3A_146 = arith.constant 0 : i32
      %dma_wait3A_147 = tpu.memref_slice %arg10[%run_scoped3A_17, %dma_wait3A_145, %dma_wait3A_146] : memref<2x128x128xf32, #tpu.memory_space<vmem>> -> memref<1x128x128xf32, #tpu.memory_space<vmem>>
      %dma_wait3A_148 = tpu.memref_squeeze %dma_wait3A_147 : memref<1x128x128xf32, #tpu.memory_space<vmem>> -> memref<128x128xf32, #tpu.memory_space<vmem>>
      tpu.wait_dma2 semaphore(%run_scoped3A_124 : memref<!tpu.dma_semaphore, #tpu.memory_space<semaphore_mem>>) src(%dma_wait3A_148 : memref<128x128xf32, #tpu.memory_space<vmem>>) dst(%dma_wait3A_144 : memref<128x128xf32, #tpu.memory_space<vmem_shared>>)
      tpu.yield
    }) : () -> ()
    %barrier3A = arith.constant 0 : index
    tpu.barrier barrier_id(%barrier3A)
    %eq3A = arith.constant 0 : i32
    %eq3A_18 = arith.cmpi eq, %arg0, %eq3A : i32
    %convert_element_type3A = arith.extui %eq3A_18 : i1 to i32
    %cond3A = arith.constant 0 : i32
    %cond3A_19 = arith.cmpi ne, %convert_element_type3A, %cond3A : i32
    scf.if %cond3A_19 {
      %mul3A_124 = arith.constant 156 : i32
      %mul3A_125 = arith.muli %arg1, %mul3A_124 : i32
      %mul3A_126 = arith.constant 128 : i32
      %mul3A_127 = arith.muli %mul3A_125, %mul3A_126 : i32
      %scan3A_128 = arith.constant 0 : i32
      %scan3A_129 = arith.constant 78 : i32
      %scan3A_130 = arith.addi %scan3A_128, %scan3A_129 : i32
      %scan3A_131 = arith.constant 1 : i32
      scf.for %scan3A_133 = %scan3A_128 to %scan3A_130 step %scan3A_131  : i32 {
        %mul3A_134 = arith.constant 2 : i32
        %mul3A_135 = arith.muli %scan3A_133, %mul3A_134 : i32
        %mul3A_136 = arith.constant 128 : i32
        %mul3A_137 = arith.muli %mul3A_135, %mul3A_136 : i32
        %add3A_138 = arith.addi %mul3A_127, %mul3A_137 : i32
        %add3A_139 = arith.constant 0 : i32
        %add3A_140 = arith.addi %add3A_138, %add3A_139 : i32
        %dma_start3A_141 = tpu.memref_slice %arg3[%add3A_140] : memref<327680xi32, #tpu.memory_space<hbm>> -> memref<128xi32, #tpu.memory_space<hbm>>
        %dma_start3A_142 = tpu.memref_slice %arg3[%add3A_140] : memref<327680xi32, #tpu.memory_space<hbm>> -> memref<128xi32, #tpu.memory_space<hbm>>
        tpu.enqueue_dma source(%dma_start3A_142 : memref<128xi32, #tpu.memory_space<hbm>>) target(%arg6 : memref<128xi32, #tpu.memory_space<vmem>>) target_semaphore(%arg12 : memref<!tpu.dma_semaphore, #tpu.memory_space<semaphore_mem>>)
        %dma_start3A_143 = tpu.memref_slice %arg4[%add3A_140] : memref<327680xi32, #tpu.memory_space<hbm>> -> memref<128xi32, #tpu.memory_space<hbm>>
        %dma_start3A_144 = tpu.memref_slice %arg4[%add3A_140] : memref<327680xi32, #tpu.memory_space<hbm>> -> memref<128xi32, #tpu.memory_space<hbm>>
        tpu.enqueue_dma source(%dma_start3A_144 : memref<128xi32, #tpu.memory_space<hbm>>) target(%arg8 : memref<128xi32, #tpu.memory_space<vmem>>) target_semaphore(%arg14 : memref<!tpu.dma_semaphore, #tpu.memory_space<semaphore_mem>>)
        %add3A_145 = arith.constant 128 : i32
        %add3A_146 = arith.addi %add3A_138, %add3A_145 : i32
        %dma_start3A_147 = tpu.memref_slice %arg3[%add3A_146] : memref<327680xi32, #tpu.memory_space<hbm>> -> memref<128xi32, #tpu.memory_space<hbm>>
        %dma_start3A_148 = tpu.memref_slice %arg3[%add3A_146] : memref<327680xi32, #tpu.memory_space<hbm>> -> memref<128xi32, #tpu.memory_space<hbm>>
        tpu.enqueue_dma source(%dma_start3A_148 : memref<128xi32, #tpu.memory_space<hbm>>) target(%arg7 : memref<128xi32, #tpu.memory_space<vmem>>) target_semaphore(%arg13 : memref<!tpu.dma_semaphore, #tpu.memory_space<semaphore_mem>>)
        %dma_start3A_149 = tpu.memref_slice %arg4[%add3A_146] : memref<327680xi32, #tpu.memory_space<hbm>> -> memref<128xi32, #tpu.memory_space<hbm>>
        %dma_start3A_150 = tpu.memref_slice %arg4[%add3A_146] : memref<327680xi32, #tpu.memory_space<hbm>> -> memref<128xi32, #tpu.memory_space<hbm>>
        tpu.enqueue_dma source(%dma_start3A_150 : memref<128xi32, #tpu.memory_space<hbm>>) target(%arg9 : memref<128xi32, #tpu.memory_space<vmem>>) target_semaphore(%arg15 : memref<!tpu.dma_semaphore, #tpu.memory_space<semaphore_mem>>)
        %dma_wait3A_151 = tpu.memref_slice %arg3[%add3A_140] : memref<327680xi32, #tpu.memory_space<hbm>> -> memref<128xi32, #tpu.memory_space<hbm>>
        %dma_wait3A_152 = tpu.memref_slice %arg3[%add3A_140] : memref<327680xi32, #tpu.memory_space<hbm>> -> memref<128xi32, #tpu.memory_space<hbm>>
        tpu.wait_dma2 semaphore(%arg12 : memref<!tpu.dma_semaphore, #tpu.memory_space<semaphore_mem>>) src(%dma_wait3A_152 : memref<128xi32, #tpu.memory_space<hbm>>) dst(%arg6 : memref<128xi32, #tpu.memory_space<vmem>>)
        %dma_start3A_153 = arith.constant 0 : i32
        %dma_start3A_154 = arith.constant 0 : i32
        %dma_start3A_155 = arith.constant 0 : i32
        %dma_start3A_156 = tpu.memref_slice %arg10[%dma_start3A_153, %dma_start3A_154, %dma_start3A_155] : memref<2x128x128xf32, #tpu.memory_space<vmem>> -> memref<1x128x128xf32, #tpu.memory_space<vmem>>
        %dma_start3A_157 = tpu.memref_squeeze %dma_start3A_156 : memref<1x128x128xf32, #tpu.memory_space<vmem>> -> memref<128x128xf32, #tpu.memory_space<vmem>>
        %dma_start3A_158 = arith.constant 0 : i32
        %dma_start3A_159 = arith.constant 0 : i32
        %dma_start3A_160 = tpu.memref_slice %arg2[%dma_start3A_158, %dma_start3A_159] : memref<10000x128xf32, #tpu.memory_space<hbm>> -> memref<10000x128xf32, #tpu.memory_space<hbm>>
        tpu.enqueue_indirect_dma source(%dma_start3A_160 : memref<10000x128xf32, #tpu.memory_space<hbm>>) target(%dma_start3A_157 : memref<128x128xf32, #tpu.memory_space<vmem>>) offsets(%arg6 : memref<128xi32, #tpu.memory_space<vmem>>) semaphore(%arg16 : memref<!tpu.dma_semaphore, #tpu.memory_space<semaphore_mem>>)
        %dma_wait3A_161 = tpu.memref_slice %arg3[%add3A_146] : memref<327680xi32, #tpu.memory_space<hbm>> -> memref<128xi32, #tpu.memory_space<hbm>>
        %dma_wait3A_162 = tpu.memref_slice %arg3[%add3A_146] : memref<327680xi32, #tpu.memory_space<hbm>> -> memref<128xi32, #tpu.memory_space<hbm>>
        tpu.wait_dma2 semaphore(%arg13 : memref<!tpu.dma_semaphore, #tpu.memory_space<semaphore_mem>>) src(%dma_wait3A_162 : memref<128xi32, #tpu.memory_space<hbm>>) dst(%arg7 : memref<128xi32, #tpu.memory_space<vmem>>)
        %dma_start3A_163 = arith.constant 1 : i32
        %dma_start3A_164 = arith.constant 0 : i32
        %dma_start3A_165 = arith.constant 0 : i32
        %dma_start3A_166 = tpu.memref_slice %arg10[%dma_start3A_163, %dma_start3A_164, %dma_start3A_165] : memref<2x128x128xf32, #tpu.memory_space<vmem>> -> memref<1x128x128xf32, #tpu.memory_space<vmem>>
        %dma_start3A_167 = tpu.memref_squeeze %dma_start3A_166 : memref<1x128x128xf32, #tpu.memory_space<vmem>> -> memref<128x128xf32, #tpu.memory_space<vmem>>
        %dma_start3A_168 = arith.constant 0 : i32
        %dma_start3A_169 = arith.constant 0 : i32
        %dma_start3A_170 = tpu.memref_slice %arg2[%dma_start3A_168, %dma_start3A_169] : memref<10000x128xf32, #tpu.memory_space<hbm>> -> memref<10000x128xf32, #tpu.memory_space<hbm>>
        tpu.enqueue_indirect_dma source(%dma_start3A_170 : memref<10000x128xf32, #tpu.memory_space<hbm>>) target(%dma_start3A_167 : memref<128x128xf32, #tpu.memory_space<vmem>>) offsets(%arg7 : memref<128xi32, #tpu.memory_space<vmem>>) semaphore(%arg17 : memref<!tpu.dma_semaphore, #tpu.memory_space<semaphore_mem>>)
        %dma_wait3A_171 = arith.constant 0 : i32
        %dma_wait3A_172 = arith.constant 0 : i32
        %dma_wait3A_173 = arith.constant 0 : i32
        %dma_wait3A_174 = tpu.memref_slice %arg10[%dma_wait3A_171, %dma_wait3A_172, %dma_wait3A_173] : memref<2x128x128xf32, #tpu.memory_space<vmem>> -> memref<1x128x128xf32, #tpu.memory_space<vmem>>
        %dma_wait3A_175 = tpu.memref_squeeze %dma_wait3A_174 : memref<1x128x128xf32, #tpu.memory_space<vmem>> -> memref<128x128xf32, #tpu.memory_space<vmem>>
        %dma_wait3A_176 = arith.constant 0 : i32
        %dma_wait3A_177 = arith.constant 0 : i32
        %dma_wait3A_178 = tpu.memref_slice %arg2[%dma_wait3A_176, %dma_wait3A_177] : memref<10000x128xf32, #tpu.memory_space<hbm>> -> memref<10000x128xf32, #tpu.memory_space<hbm>>
        tpu.wait_indirect_dma semaphore(%arg16 : memref<!tpu.dma_semaphore, #tpu.memory_space<semaphore_mem>>) src(%dma_wait3A_178 : memref<10000x128xf32, #tpu.memory_space<hbm>>) dst(%dma_wait3A_175 : memref<128x128xf32, #tpu.memory_space<vmem>>)
        %dma_wait3A_179 = tpu.memref_slice %arg4[%add3A_140] : memref<327680xi32, #tpu.memory_space<hbm>> -> memref<128xi32, #tpu.memory_space<hbm>>
        %dma_wait3A_180 = tpu.memref_slice %arg4[%add3A_140] : memref<327680xi32, #tpu.memory_space<hbm>> -> memref<128xi32, #tpu.memory_space<hbm>>
        tpu.wait_dma2 semaphore(%arg14 : memref<!tpu.dma_semaphore, #tpu.memory_space<semaphore_mem>>) src(%dma_wait3A_180 : memref<128xi32, #tpu.memory_space<hbm>>) dst(%arg8 : memref<128xi32, #tpu.memory_space<vmem>>)
        %dma_start3A_181 = arith.constant 0 : i32
        %dma_start3A_182 = arith.constant 0 : i32
        %dma_start3A_183 = arith.constant 0 : i32
        %dma_start3A_184 = tpu.memref_slice %arg10[%dma_start3A_181, %dma_start3A_182, %dma_start3A_183] : memref<2x128x128xf32, #tpu.memory_space<vmem>> -> memref<1x128x128xf32, #tpu.memory_space<vmem>>
        %dma_start3A_185 = tpu.memref_squeeze %dma_start3A_184 : memref<1x128x128xf32, #tpu.memory_space<vmem>> -> memref<128x128xf32, #tpu.memory_space<vmem>>
        %dma_start3A_186 = arith.constant 0 : i32
        %dma_start3A_187 = arith.constant 0 : i32
        %dma_start3A_188 = tpu.memref_slice %arg11[%dma_start3A_186, %dma_start3A_187] : memref<10240x128xf32, #tpu.memory_space<vmem_shared>> -> memref<10240x128xf32, #tpu.memory_space<vmem_shared>>
        tpu.enqueue_indirect_dma source(%dma_start3A_185 : memref<128x128xf32, #tpu.memory_space<vmem>>) target(%dma_start3A_188 : memref<10240x128xf32, #tpu.memory_space<vmem_shared>>) offsets(%arg8 : memref<128xi32, #tpu.memory_space<vmem>>) semaphore(%arg18 : memref<!tpu.dma_semaphore, #tpu.memory_space<semaphore_mem>>) {add = true}
        %dma_wait3A_189 = arith.constant 1 : i32
        %dma_wait3A_190 = arith.constant 0 : i32
        %dma_wait3A_191 = arith.constant 0 : i32
        %dma_wait3A_192 = tpu.memref_slice %arg10[%dma_wait3A_189, %dma_wait3A_190, %dma_wait3A_191] : memref<2x128x128xf32, #tpu.memory_space<vmem>> -> memref<1x128x128xf32, #tpu.memory_space<vmem>>
        %dma_wait3A_193 = tpu.memref_squeeze %dma_wait3A_192 : memref<1x128x128xf32, #tpu.memory_space<vmem>> -> memref<128x128xf32, #tpu.memory_space<vmem>>
        %dma_wait3A_194 = arith.constant 0 : i32
        %dma_wait3A_195 = arith.constant 0 : i32
        %dma_wait3A_196 = tpu.memref_slice %arg2[%dma_wait3A_194, %dma_wait3A_195] : memref<10000x128xf32, #tpu.memory_space<hbm>> -> memref<10000x128xf32, #tpu.memory_space<hbm>>
        tpu.wait_indirect_dma semaphore(%arg17 : memref<!tpu.dma_semaphore, #tpu.memory_space<semaphore_mem>>) src(%dma_wait3A_196 : memref<10000x128xf32, #tpu.memory_space<hbm>>) dst(%dma_wait3A_193 : memref<128x128xf32, #tpu.memory_space<vmem>>)
        %dma_wait3A_197 = tpu.memref_slice %arg4[%add3A_146] : memref<327680xi32, #tpu.memory_space<hbm>> -> memref<128xi32, #tpu.memory_space<hbm>>
        %dma_wait3A_198 = tpu.memref_slice %arg4[%add3A_146] : memref<327680xi32, #tpu.memory_space<hbm>> -> memref<128xi32, #tpu.memory_space<hbm>>
        tpu.wait_dma2 semaphore(%arg15 : memref<!tpu.dma_semaphore, #tpu.memory_space<semaphore_mem>>) src(%dma_wait3A_198 : memref<128xi32, #tpu.memory_space<hbm>>) dst(%arg9 : memref<128xi32, #tpu.memory_space<vmem>>)
        %dma_start3A_199 = arith.constant 1 : i32
        %dma_start3A_200 = arith.constant 0 : i32
        %dma_start3A_201 = arith.constant 0 : i32
        %dma_start3A_202 = tpu.memref_slice %arg10[%dma_start3A_199, %dma_start3A_200, %dma_start3A_201] : memref<2x128x128xf32, #tpu.memory_space<vmem>> -> memref<1x128x128xf32, #tpu.memory_space<vmem>>
        %dma_start3A_203 = tpu.memref_squeeze %dma_start3A_202 : memref<1x128x128xf32, #tpu.memory_space<vmem>> -> memref<128x128xf32, #tpu.memory_space<vmem>>
        %dma_start3A_204 = arith.constant 0 : i32
        %dma_start3A_205 = arith.constant 0 : i32
        %dma_start3A_206 = tpu.memref_slice %arg11[%dma_start3A_204, %dma_start3A_205] : memref<10240x128xf32, #tpu.memory_space<vmem_shared>> -> memref<10240x128xf32, #tpu.memory_space<vmem_shared>>
        tpu.enqueue_indirect_dma source(%dma_start3A_203 : memref<128x128xf32, #tpu.memory_space<vmem>>) target(%dma_start3A_206 : memref<10240x128xf32, #tpu.memory_space<vmem_shared>>) offsets(%arg9 : memref<128xi32, #tpu.memory_space<vmem>>) semaphore(%arg19 : memref<!tpu.dma_semaphore, #tpu.memory_space<semaphore_mem>>) {add = true}
        %dma_wait3A_207 = arith.constant 0 : i32
        %dma_wait3A_208 = arith.constant 0 : i32
        %dma_wait3A_209 = arith.constant 0 : i32
        %dma_wait3A_210 = tpu.memref_slice %arg10[%dma_wait3A_207, %dma_wait3A_208, %dma_wait3A_209] : memref<2x128x128xf32, #tpu.memory_space<vmem>> -> memref<1x128x128xf32, #tpu.memory_space<vmem>>
        %dma_wait3A_211 = tpu.memref_squeeze %dma_wait3A_210 : memref<1x128x128xf32, #tpu.memory_space<vmem>> -> memref<128x128xf32, #tpu.memory_space<vmem>>
        %dma_wait3A_212 = arith.constant 0 : i32
        %dma_wait3A_213 = arith.constant 0 : i32
        %dma_wait3A_214 = tpu.memref_slice %arg11[%dma_wait3A_212, %dma_wait3A_213] : memref<10240x128xf32, #tpu.memory_space<vmem_shared>> -> memref<10240x128xf32, #tpu.memory_space<vmem_shared>>
        tpu.wait_indirect_dma semaphore(%arg18 : memref<!tpu.dma_semaphore, #tpu.memory_space<semaphore_mem>>) src(%dma_wait3A_211 : memref<128x128xf32, #tpu.memory_space<vmem>>) dst(%dma_wait3A_214 : memref<10240x128xf32, #tpu.memory_space<vmem_shared>>)
        %dma_wait3A_215 = arith.constant 1 : i32
        %dma_wait3A_216 = arith.constant 0 : i32
        %dma_wait3A_217 = arith.constant 0 : i32
        %dma_wait3A_218 = tpu.memref_slice %arg10[%dma_wait3A_215, %dma_wait3A_216, %dma_wait3A_217] : memref<2x128x128xf32, #tpu.memory_space<vmem>> -> memref<1x128x128xf32, #tpu.memory_space<vmem>>
        %dma_wait3A_219 = tpu.memref_squeeze %dma_wait3A_218 : memref<1x128x128xf32, #tpu.memory_space<vmem>> -> memref<128x128xf32, #tpu.memory_space<vmem>>
        %dma_wait3A_220 = arith.constant 0 : i32
        %dma_wait3A_221 = arith.constant 0 : i32
        %dma_wait3A_222 = tpu.memref_slice %arg11[%dma_wait3A_220, %dma_wait3A_221] : memref<10240x128xf32, #tpu.memory_space<vmem_shared>> -> memref<10240x128xf32, #tpu.memory_space<vmem_shared>>
        tpu.wait_indirect_dma semaphore(%arg19 : memref<!tpu.dma_semaphore, #tpu.memory_space<semaphore_mem>>) src(%dma_wait3A_219 : memref<128x128xf32, #tpu.memory_space<vmem>>) dst(%dma_wait3A_222 : memref<10240x128xf32, #tpu.memory_space<vmem_shared>>)
      }
      %scan3A_132 = arith.constant 78 : i32
    } else {
    }
    %eq3A_20 = arith.constant 1 : i32
    %eq3A_21 = arith.cmpi eq, %arg0, %eq3A_20 : i32
    %convert_element_type3A_22 = arith.extui %eq3A_21 : i1 to i32
    %cond3A_23 = arith.constant 0 : i32
    %cond3A_24 = arith.cmpi ne, %convert_element_type3A_22, %cond3A_23 : i32
    scf.if %cond3A_24 {
      %mul3A_124 = arith.constant 4 : i32
      %mul3A_125 = arith.muli %arg1, %mul3A_124 : i32
      %add3A_126 = arith.constant 2496 : i32
      %add3A_127 = arith.addi %add3A_126, %mul3A_125 : i32
      %mul3A_128 = arith.constant 128 : i32
      %mul3A_129 = arith.muli %add3A_127, %mul3A_128 : i32
      %scan3A_130 = arith.constant 0 : i32
      %scan3A_131 = arith.constant 4 : i32
      %scan3A_132 = arith.addi %scan3A_130, %scan3A_131 : i32
      %scan3A_133 = arith.constant 1 : i32
      scf.for %scan3A_135 = %scan3A_130 to %scan3A_132 step %scan3A_133  : i32 {
        %mul3A_136 = arith.constant 128 : i32
        %mul3A_137 = arith.muli %scan3A_135, %mul3A_136 : i32
        %add3A_138 = arith.addi %mul3A_129, %mul3A_137 : i32
        %dma_start3A_139 = tpu.memref_slice %arg3[%add3A_138] : memref<327680xi32, #tpu.memory_space<hbm>> -> memref<128xi32, #tpu.memory_space<hbm>>
        %dma_start3A_140 = tpu.memref_slice %arg3[%add3A_138] : memref<327680xi32, #tpu.memory_space<hbm>> -> memref<128xi32, #tpu.memory_space<hbm>>
        tpu.enqueue_dma source(%dma_start3A_140 : memref<128xi32, #tpu.memory_space<hbm>>) target(%arg6 : memref<128xi32, #tpu.memory_space<vmem>>) target_semaphore(%arg12 : memref<!tpu.dma_semaphore, #tpu.memory_space<semaphore_mem>>)
        %dma_start3A_141 = tpu.memref_slice %arg4[%add3A_138] : memref<327680xi32, #tpu.memory_space<hbm>> -> memref<128xi32, #tpu.memory_space<hbm>>
        %dma_start3A_142 = tpu.memref_slice %arg4[%add3A_138] : memref<327680xi32, #tpu.memory_space<hbm>> -> memref<128xi32, #tpu.memory_space<hbm>>
        tpu.enqueue_dma source(%dma_start3A_142 : memref<128xi32, #tpu.memory_space<hbm>>) target(%arg8 : memref<128xi32, #tpu.memory_space<vmem>>) target_semaphore(%arg14 : memref<!tpu.dma_semaphore, #tpu.memory_space<semaphore_mem>>)
        %dma_wait3A_143 = tpu.memref_slice %arg3[%add3A_138] : memref<327680xi32, #tpu.memory_space<hbm>> -> memref<128xi32, #tpu.memory_space<hbm>>
        %dma_wait3A_144 = tpu.memref_slice %arg3[%add3A_138] : memref<327680xi32, #tpu.memory_space<hbm>> -> memref<128xi32, #tpu.memory_space<hbm>>
        tpu.wait_dma2 semaphore(%arg12 : memref<!tpu.dma_semaphore, #tpu.memory_space<semaphore_mem>>) src(%dma_wait3A_144 : memref<128xi32, #tpu.memory_space<hbm>>) dst(%arg6 : memref<128xi32, #tpu.memory_space<vmem>>)
        %dma_start3A_145 = arith.constant 0 : i32
        %dma_start3A_146 = arith.constant 0 : i32
        %dma_start3A_147 = arith.constant 0 : i32
        %dma_start3A_148 = tpu.memref_slice %arg10[%dma_start3A_145, %dma_start3A_146, %dma_start3A_147] : memref<2x128x128xf32, #tpu.memory_space<vmem>> -> memref<1x128x128xf32, #tpu.memory_space<vmem>>
        %dma_start3A_149 = tpu.memref_squeeze %dma_start3A_148 : memref<1x128x128xf32, #tpu.memory_space<vmem>> -> memref<128x128xf32, #tpu.memory_space<vmem>>
        %dma_start3A_150 = arith.constant 0 : i32
        %dma_start3A_151 = arith.constant 0 : i32
        %dma_start3A_152 = tpu.memref_slice %arg2[%dma_start3A_150, %dma_start3A_151] : memref<10000x128xf32, #tpu.memory_space<hbm>> -> memref<10000x128xf32, #tpu.memory_space<hbm>>
        tpu.enqueue_indirect_dma source(%dma_start3A_152 : memref<10000x128xf32, #tpu.memory_space<hbm>>) target(%dma_start3A_149 : memref<128x128xf32, #tpu.memory_space<vmem>>) offsets(%arg6 : memref<128xi32, #tpu.memory_space<vmem>>) semaphore(%arg16 : memref<!tpu.dma_semaphore, #tpu.memory_space<semaphore_mem>>)
        %dma_wait3A_153 = arith.constant 0 : i32
        %dma_wait3A_154 = arith.constant 0 : i32
        %dma_wait3A_155 = arith.constant 0 : i32
        %dma_wait3A_156 = tpu.memref_slice %arg10[%dma_wait3A_153, %dma_wait3A_154, %dma_wait3A_155] : memref<2x128x128xf32, #tpu.memory_space<vmem>> -> memref<1x128x128xf32, #tpu.memory_space<vmem>>
        %dma_wait3A_157 = tpu.memref_squeeze %dma_wait3A_156 : memref<1x128x128xf32, #tpu.memory_space<vmem>> -> memref<128x128xf32, #tpu.memory_space<vmem>>
        %dma_wait3A_158 = arith.constant 0 : i32
        %dma_wait3A_159 = arith.constant 0 : i32
        %dma_wait3A_160 = tpu.memref_slice %arg2[%dma_wait3A_158, %dma_wait3A_159] : memref<10000x128xf32, #tpu.memory_space<hbm>> -> memref<10000x128xf32, #tpu.memory_space<hbm>>
        tpu.wait_indirect_dma semaphore(%arg16 : memref<!tpu.dma_semaphore, #tpu.memory_space<semaphore_mem>>) src(%dma_wait3A_160 : memref<10000x128xf32, #tpu.memory_space<hbm>>) dst(%dma_wait3A_157 : memref<128x128xf32, #tpu.memory_space<vmem>>)
        %dma_wait3A_161 = tpu.memref_slice %arg4[%add3A_138] : memref<327680xi32, #tpu.memory_space<hbm>> -> memref<128xi32, #tpu.memory_space<hbm>>
        %dma_wait3A_162 = tpu.memref_slice %arg4[%add3A_138] : memref<327680xi32, #tpu.memory_space<hbm>> -> memref<128xi32, #tpu.memory_space<hbm>>
        tpu.wait_dma2 semaphore(%arg14 : memref<!tpu.dma_semaphore, #tpu.memory_space<semaphore_mem>>) src(%dma_wait3A_162 : memref<128xi32, #tpu.memory_space<hbm>>) dst(%arg8 : memref<128xi32, #tpu.memory_space<vmem>>)
        %dma_start3A_163 = arith.constant 0 : i32
        %dma_start3A_164 = arith.constant 0 : i32
        %dma_start3A_165 = arith.constant 0 : i32
        %dma_start3A_166 = tpu.memref_slice %arg10[%dma_start3A_163, %dma_start3A_164, %dma_start3A_165] : memref<2x128x128xf32, #tpu.memory_space<vmem>> -> memref<1x128x128xf32, #tpu.memory_space<vmem>>
        %dma_start3A_167 = tpu.memref_squeeze %dma_start3A_166 : memref<1x128x128xf32, #tpu.memory_space<vmem>> -> memref<128x128xf32, #tpu.memory_space<vmem>>
        %dma_start3A_168 = arith.constant 0 : i32
        %dma_start3A_169 = arith.constant 0 : i32
        %dma_start3A_170 = tpu.memref_slice %arg11[%dma_start3A_168, %dma_start3A_169] : memref<10240x128xf32, #tpu.memory_space<vmem_shared>> -> memref<10240x128xf32, #tpu.memory_space<vmem_shared>>
        tpu.enqueue_indirect_dma source(%dma_start3A_167 : memref<128x128xf32, #tpu.memory_space<vmem>>) target(%dma_start3A_170 : memref<10240x128xf32, #tpu.memory_space<vmem_shared>>) offsets(%arg8 : memref<128xi32, #tpu.memory_space<vmem>>) semaphore(%arg18 : memref<!tpu.dma_semaphore, #tpu.memory_space<semaphore_mem>>) {add = true}
        %dma_wait3A_171 = arith.constant 0 : i32
        %dma_wait3A_172 = arith.constant 0 : i32
        %dma_wait3A_173 = arith.constant 0 : i32
        %dma_wait3A_174 = tpu.memref_slice %arg10[%dma_wait3A_171, %dma_wait3A_172, %dma_wait3A_173] : memref<2x128x128xf32, #tpu.memory_space<vmem>> -> memref<1x128x128xf32, #tpu.memory_space<vmem>>
        %dma_wait3A_175 = tpu.memref_squeeze %dma_wait3A_174 : memref<1x128x128xf32, #tpu.memory_space<vmem>> -> memref<128x128xf32, #tpu.memory_space<vmem>>
        %dma_wait3A_176 = arith.constant 0 : i32
        %dma_wait3A_177 = arith.constant 0 : i32
        %dma_wait3A_178 = tpu.memref_slice %arg11[%dma_wait3A_176, %dma_wait3A_177] : memref<10240x128xf32, #tpu.memory_space<vmem_shared>> -> memref<10240x128xf32, #tpu.memory_space<vmem_shared>>
        tpu.wait_indirect_dma semaphore(%arg18 : memref<!tpu.dma_semaphore, #tpu.memory_space<semaphore_mem>>) src(%dma_wait3A_175 : memref<128x128xf32, #tpu.memory_space<vmem>>) dst(%dma_wait3A_178 : memref<10240x128xf32, #tpu.memory_space<vmem_shared>>)
      }
      %scan3A_134 = arith.constant 4 : i32
    } else {
    }
    %barrier3A_25 = arith.constant 0 : index
    tpu.barrier barrier_id(%barrier3A_25)
    %mul3A_26 = arith.constant 10240 : i32
    %mul3A_27 = arith.muli %arg0, %mul3A_26 : i32
    %add3A_28 = arith.addi %mul3A_27, %multiple_of3A : i32
    %multiple_of3A_29 = tpu.assume_multiple %add3A_28, 128 : i32
    %add3A_30 = arith.constant 0 : i32
    %add3A_31 = arith.addi %multiple_of3A, %add3A_30 : i32
    %add3A_32 = arith.constant 0 : i32
    %add3A_33 = arith.addi %multiple_of3A_29, %add3A_32 : i32
    %dma_start3A = arith.constant 0 : i32
    %dma_start3A_34 = tpu.memref_slice %arg5[%add3A_33, %dma_start3A] : memref<20480x128xf32, #tpu.memory_space<hbm>> -> memref<80x128xf32, #tpu.memory_space<hbm>>
    %dma_start3A_35 = arith.constant 0 : i32
    %dma_start3A_36 = tpu.memref_slice %arg11[%add3A_31, %dma_start3A_35] : memref<10240x128xf32, #tpu.memory_space<vmem_shared>> -> memref<80x128xf32, #tpu.memory_space<vmem_shared>>
    tpu.enqueue_dma source(%dma_start3A_36 : memref<80x128xf32, #tpu.memory_space<vmem_shared>>) target(%dma_start3A_34 : memref<80x128xf32, #tpu.memory_space<hbm>>) target_semaphore(%arg12 : memref<!tpu.dma_semaphore, #tpu.memory_space<semaphore_mem>>)
    %add3A_37 = arith.constant 80 : i32
    %add3A_38 = arith.addi %multiple_of3A, %add3A_37 : i32
    %add3A_39 = arith.constant 80 : i32
    %add3A_40 = arith.addi %multiple_of3A_29, %add3A_39 : i32
    %dma_start3A_41 = arith.constant 0 : i32
    %dma_start3A_42 = tpu.memref_slice %arg5[%add3A_40, %dma_start3A_41] : memref<20480x128xf32, #tpu.memory_space<hbm>> -> memref<80x128xf32, #tpu.memory_space<hbm>>
    %dma_start3A_43 = arith.constant 0 : i32
    %dma_start3A_44 = tpu.memref_slice %arg11[%add3A_38, %dma_start3A_43] : memref<10240x128xf32, #tpu.memory_space<vmem_shared>> -> memref<80x128xf32, #tpu.memory_space<vmem_shared>>
    tpu.enqueue_dma source(%dma_start3A_44 : memref<80x128xf32, #tpu.memory_space<vmem_shared>>) target(%dma_start3A_42 : memref<80x128xf32, #tpu.memory_space<hbm>>) target_semaphore(%arg13 : memref<!tpu.dma_semaphore, #tpu.memory_space<semaphore_mem>>)
    %add3A_45 = arith.constant 160 : i32
    %add3A_46 = arith.addi %multiple_of3A, %add3A_45 : i32
    %add3A_47 = arith.constant 160 : i32
    %add3A_48 = arith.addi %multiple_of3A_29, %add3A_47 : i32
    %dma_start3A_49 = arith.constant 0 : i32
    %dma_start3A_50 = tpu.memref_slice %arg5[%add3A_48, %dma_start3A_49] : memref<20480x128xf32, #tpu.memory_space<hbm>> -> memref<80x128xf32, #tpu.memory_space<hbm>>
    %dma_start3A_51 = arith.constant 0 : i32
    %dma_start3A_52 = tpu.memref_slice %arg11[%add3A_46, %dma_start3A_51] : memref<10240x128xf32, #tpu.memory_space<vmem_shared>> -> memref<80x128xf32, #tpu.memory_space<vmem_shared>>
    tpu.enqueue_dma source(%dma_start3A_52 : memref<80x128xf32, #tpu.memory_space<vmem_shared>>) target(%dma_start3A_50 : memref<80x128xf32, #tpu.memory_space<hbm>>) target_semaphore(%arg14 : memref<!tpu.dma_semaphore, #tpu.memory_space<semaphore_mem>>)
    %add3A_53 = arith.constant 240 : i32
    %add3A_54 = arith.addi %multiple_of3A, %add3A_53 : i32
    %add3A_55 = arith.constant 240 : i32
    %add3A_56 = arith.addi %multiple_of3A_29, %add3A_55 : i32
    %dma_start3A_57 = arith.constant 0 : i32
    %dma_start3A_58 = tpu.memref_slice %arg5[%add3A_56, %dma_start3A_57] : memref<20480x128xf32, #tpu.memory_space<hbm>> -> memref<80x128xf32, #tpu.memory_space<hbm>>
    %dma_start3A_59 = arith.constant 0 : i32
    %dma_start3A_60 = tpu.memref_slice %arg11[%add3A_54, %dma_start3A_59] : memref<10240x128xf32, #tpu.memory_space<vmem_shared>> -> memref<80x128xf32, #tpu.memory_space<vmem_shared>>
    tpu.enqueue_dma source(%dma_start3A_60 : memref<80x128xf32, #tpu.memory_space<vmem_shared>>) target(%dma_start3A_58 : memref<80x128xf32, #tpu.memory_space<hbm>>) target_semaphore(%arg15 : memref<!tpu.dma_semaphore, #tpu.memory_space<semaphore_mem>>)
    %add3A_61 = arith.constant 320 : i32
    %add3A_62 = arith.addi %multiple_of3A, %add3A_61 : i32
    %add3A_63 = arith.constant 320 : i32
    %add3A_64 = arith.addi %multiple_of3A_29, %add3A_63 : i32
    %dma_start3A_65 = arith.constant 0 : i32
    %dma_start3A_66 = tpu.memref_slice %arg5[%add3A_64, %dma_start3A_65] : memref<20480x128xf32, #tpu.memory_space<hbm>> -> memref<80x128xf32, #tpu.memory_space<hbm>>
    %dma_start3A_67 = arith.constant 0 : i32
    %dma_start3A_68 = tpu.memref_slice %arg11[%add3A_62, %dma_start3A_67] : memref<10240x128xf32, #tpu.memory_space<vmem_shared>> -> memref<80x128xf32, #tpu.memory_space<vmem_shared>>
    tpu.enqueue_dma source(%dma_start3A_68 : memref<80x128xf32, #tpu.memory_space<vmem_shared>>) target(%dma_start3A_66 : memref<80x128xf32, #tpu.memory_space<hbm>>) target_semaphore(%arg16 : memref<!tpu.dma_semaphore, #tpu.memory_space<semaphore_mem>>)
    %add3A_69 = arith.constant 400 : i32
    %add3A_70 = arith.addi %multiple_of3A, %add3A_69 : i32
    %add3A_71 = arith.constant 400 : i32
    %add3A_72 = arith.addi %multiple_of3A_29, %add3A_71 : i32
    %dma_start3A_73 = arith.constant 0 : i32
    %dma_start3A_74 = tpu.memref_slice %arg5[%add3A_72, %dma_start3A_73] : memref<20480x128xf32, #tpu.memory_space<hbm>> -> memref<80x128xf32, #tpu.memory_space<hbm>>
    %dma_start3A_75 = arith.constant 0 : i32
    %dma_start3A_76 = tpu.memref_slice %arg11[%add3A_70, %dma_start3A_75] : memref<10240x128xf32, #tpu.memory_space<vmem_shared>> -> memref<80x128xf32, #tpu.memory_space<vmem_shared>>
    tpu.enqueue_dma source(%dma_start3A_76 : memref<80x128xf32, #tpu.memory_space<vmem_shared>>) target(%dma_start3A_74 : memref<80x128xf32, #tpu.memory_space<hbm>>) target_semaphore(%arg17 : memref<!tpu.dma_semaphore, #tpu.memory_space<semaphore_mem>>)
    %add3A_77 = arith.constant 480 : i32
    %add3A_78 = arith.addi %multiple_of3A, %add3A_77 : i32
    %add3A_79 = arith.constant 480 : i32
    %add3A_80 = arith.addi %multiple_of3A_29, %add3A_79 : i32
    %dma_start3A_81 = arith.constant 0 : i32
    %dma_start3A_82 = tpu.memref_slice %arg5[%add3A_80, %dma_start3A_81] : memref<20480x128xf32, #tpu.memory_space<hbm>> -> memref<80x128xf32, #tpu.memory_space<hbm>>
    %dma_start3A_83 = arith.constant 0 : i32
    %dma_start3A_84 = tpu.memref_slice %arg11[%add3A_78, %dma_start3A_83] : memref<10240x128xf32, #tpu.memory_space<vmem_shared>> -> memref<80x128xf32, #tpu.memory_space<vmem_shared>>
    tpu.enqueue_dma source(%dma_start3A_84 : memref<80x128xf32, #tpu.memory_space<vmem_shared>>) target(%dma_start3A_82 : memref<80x128xf32, #tpu.memory_space<hbm>>) target_semaphore(%arg18 : memref<!tpu.dma_semaphore, #tpu.memory_space<semaphore_mem>>)
    %add3A_85 = arith.constant 560 : i32
    %add3A_86 = arith.addi %multiple_of3A, %add3A_85 : i32
    %add3A_87 = arith.constant 560 : i32
    %add3A_88 = arith.addi %multiple_of3A_29, %add3A_87 : i32
    %dma_start3A_89 = arith.constant 0 : i32
    %dma_start3A_90 = tpu.memref_slice %arg5[%add3A_88, %dma_start3A_89] : memref<20480x128xf32, #tpu.memory_space<hbm>> -> memref<80x128xf32, #tpu.memory_space<hbm>>
    %dma_start3A_91 = arith.constant 0 : i32
    %dma_start3A_92 = tpu.memref_slice %arg11[%add3A_86, %dma_start3A_91] : memref<10240x128xf32, #tpu.memory_space<vmem_shared>> -> memref<80x128xf32, #tpu.memory_space<vmem_shared>>
    tpu.enqueue_dma source(%dma_start3A_92 : memref<80x128xf32, #tpu.memory_space<vmem_shared>>) target(%dma_start3A_90 : memref<80x128xf32, #tpu.memory_space<hbm>>) target_semaphore(%arg19 : memref<!tpu.dma_semaphore, #tpu.memory_space<semaphore_mem>>)
    %dma_wait3A = arith.constant 0 : i32
    %dma_wait3A_93 = tpu.memref_slice %arg5[%add3A_33, %dma_wait3A] : memref<20480x128xf32, #tpu.memory_space<hbm>> -> memref<80x128xf32, #tpu.memory_space<hbm>>
    %dma_wait3A_94 = arith.constant 0 : i32
    %dma_wait3A_95 = tpu.memref_slice %arg11[%add3A_31, %dma_wait3A_94] : memref<10240x128xf32, #tpu.memory_space<vmem_shared>> -> memref<80x128xf32, #tpu.memory_space<vmem_shared>>
    tpu.wait_dma2 semaphore(%arg12 : memref<!tpu.dma_semaphore, #tpu.memory_space<semaphore_mem>>) src(%dma_wait3A_95 : memref<80x128xf32, #tpu.memory_space<vmem_shared>>) dst(%dma_wait3A_93 : memref<80x128xf32, #tpu.memory_space<hbm>>)
    %dma_wait3A_96 = arith.constant 0 : i32
    %dma_wait3A_97 = tpu.memref_slice %arg5[%add3A_40, %dma_wait3A_96] : memref<20480x128xf32, #tpu.memory_space<hbm>> -> memref<80x128xf32, #tpu.memory_space<hbm>>
    %dma_wait3A_98 = arith.constant 0 : i32
    %dma_wait3A_99 = tpu.memref_slice %arg11[%add3A_38, %dma_wait3A_98] : memref<10240x128xf32, #tpu.memory_space<vmem_shared>> -> memref<80x128xf32, #tpu.memory_space<vmem_shared>>
    tpu.wait_dma2 semaphore(%arg13 : memref<!tpu.dma_semaphore, #tpu.memory_space<semaphore_mem>>) src(%dma_wait3A_99 : memref<80x128xf32, #tpu.memory_space<vmem_shared>>) dst(%dma_wait3A_97 : memref<80x128xf32, #tpu.memory_space<hbm>>)
    %dma_wait3A_100 = arith.constant 0 : i32
    %dma_wait3A_101 = tpu.memref_slice %arg5[%add3A_48, %dma_wait3A_100] : memref<20480x128xf32, #tpu.memory_space<hbm>> -> memref<80x128xf32, #tpu.memory_space<hbm>>
    %dma_wait3A_102 = arith.constant 0 : i32
    %dma_wait3A_103 = tpu.memref_slice %arg11[%add3A_46, %dma_wait3A_102] : memref<10240x128xf32, #tpu.memory_space<vmem_shared>> -> memref<80x128xf32, #tpu.memory_space<vmem_shared>>
    tpu.wait_dma2 semaphore(%arg14 : memref<!tpu.dma_semaphore, #tpu.memory_space<semaphore_mem>>) src(%dma_wait3A_103 : memref<80x128xf32, #tpu.memory_space<vmem_shared>>) dst(%dma_wait3A_101 : memref<80x128xf32, #tpu.memory_space<hbm>>)
    %dma_wait3A_104 = arith.constant 0 : i32
    %dma_wait3A_105 = tpu.memref_slice %arg5[%add3A_56, %dma_wait3A_104] : memref<20480x128xf32, #tpu.memory_space<hbm>> -> memref<80x128xf32, #tpu.memory_space<hbm>>
    %dma_wait3A_106 = arith.constant 0 : i32
    %dma_wait3A_107 = tpu.memref_slice %arg11[%add3A_54, %dma_wait3A_106] : memref<10240x128xf32, #tpu.memory_space<vmem_shared>> -> memref<80x128xf32, #tpu.memory_space<vmem_shared>>
    tpu.wait_dma2 semaphore(%arg15 : memref<!tpu.dma_semaphore, #tpu.memory_space<semaphore_mem>>) src(%dma_wait3A_107 : memref<80x128xf32, #tpu.memory_space<vmem_shared>>) dst(%dma_wait3A_105 : memref<80x128xf32, #tpu.memory_space<hbm>>)
    %dma_wait3A_108 = arith.constant 0 : i32
    %dma_wait3A_109 = tpu.memref_slice %arg5[%add3A_64, %dma_wait3A_108] : memref<20480x128xf32, #tpu.memory_space<hbm>> -> memref<80x128xf32, #tpu.memory_space<hbm>>
    %dma_wait3A_110 = arith.constant 0 : i32
    %dma_wait3A_111 = tpu.memref_slice %arg11[%add3A_62, %dma_wait3A_110] : memref<10240x128xf32, #tpu.memory_space<vmem_shared>> -> memref<80x128xf32, #tpu.memory_space<vmem_shared>>
    tpu.wait_dma2 semaphore(%arg16 : memref<!tpu.dma_semaphore, #tpu.memory_space<semaphore_mem>>) src(%dma_wait3A_111 : memref<80x128xf32, #tpu.memory_space<vmem_shared>>) dst(%dma_wait3A_109 : memref<80x128xf32, #tpu.memory_space<hbm>>)
    %dma_wait3A_112 = arith.constant 0 : i32
    %dma_wait3A_113 = tpu.memref_slice %arg5[%add3A_72, %dma_wait3A_112] : memref<20480x128xf32, #tpu.memory_space<hbm>> -> memref<80x128xf32, #tpu.memory_space<hbm>>
    %dma_wait3A_114 = arith.constant 0 : i32
    %dma_wait3A_115 = tpu.memref_slice %arg11[%add3A_70, %dma_wait3A_114] : memref<10240x128xf32, #tpu.memory_space<vmem_shared>> -> memref<80x128xf32, #tpu.memory_space<vmem_shared>>
    tpu.wait_dma2 semaphore(%arg17 : memref<!tpu.dma_semaphore, #tpu.memory_space<semaphore_mem>>) src(%dma_wait3A_115 : memref<80x128xf32, #tpu.memory_space<vmem_shared>>) dst(%dma_wait3A_113 : memref<80x128xf32, #tpu.memory_space<hbm>>)
    %dma_wait3A_116 = arith.constant 0 : i32
    %dma_wait3A_117 = tpu.memref_slice %arg5[%add3A_80, %dma_wait3A_116] : memref<20480x128xf32, #tpu.memory_space<hbm>> -> memref<80x128xf32, #tpu.memory_space<hbm>>
    %dma_wait3A_118 = arith.constant 0 : i32
    %dma_wait3A_119 = tpu.memref_slice %arg11[%add3A_78, %dma_wait3A_118] : memref<10240x128xf32, #tpu.memory_space<vmem_shared>> -> memref<80x128xf32, #tpu.memory_space<vmem_shared>>
    tpu.wait_dma2 semaphore(%arg18 : memref<!tpu.dma_semaphore, #tpu.memory_space<semaphore_mem>>) src(%dma_wait3A_119 : memref<80x128xf32, #tpu.memory_space<vmem_shared>>) dst(%dma_wait3A_117 : memref<80x128xf32, #tpu.memory_space<hbm>>)
    %dma_wait3A_120 = arith.constant 0 : i32
    %dma_wait3A_121 = tpu.memref_slice %arg5[%add3A_88, %dma_wait3A_120] : memref<20480x128xf32, #tpu.memory_space<hbm>> -> memref<80x128xf32, #tpu.memory_space<hbm>>
    %dma_wait3A_122 = arith.constant 0 : i32
    %dma_wait3A_123 = tpu.memref_slice %arg11[%add3A_86, %dma_wait3A_122] : memref<10240x128xf32, #tpu.memory_space<vmem_shared>> -> memref<80x128xf32, #tpu.memory_space<vmem_shared>>
    tpu.wait_dma2 semaphore(%arg19 : memref<!tpu.dma_semaphore, #tpu.memory_space<semaphore_mem>>) src(%dma_wait3A_123 : memref<80x128xf32, #tpu.memory_space<vmem_shared>>) dst(%dma_wait3A_121 : memref<80x128xf32, #tpu.memory_space<hbm>>)
    return
  }
}

module attributes {stable_mosaic.version = 14 : i64} {
  func.func @_scale_body(%arg0: i32, %arg1: memref<1000x128xf32, #tpu.memory_space<vmem>>, %arg2: memref<128x128xf32, #tpu.memory_space<vmem>>, %arg3: memref<1000x1xf32, #tpu.memory_space<vmem>>, %arg4: memref<1000x1xf32, #tpu.memory_space<vmem>>, %arg5: memref<1000x128xf32, #tpu.memory_space<vmem>>) attributes {dimension_semantics = [#tpu.dimension_semantics<arbitrary>], iteration_bounds = array<i64: 10>, scalar_prefetch = 0 : i64, scratch_operands = 0 : i64, tpu.core_type = #tpu.core_type<tc>, window_params = [{transform_indices = @transform_0, window_bounds = array<i64: 1000, 128>}, {pipeline_mode = #tpu.pipeline_mode<synchronous>, transform_indices = @transform_1, window_bounds = array<i64: 128, 128>}, {transform_indices = @transform_2, window_bounds = array<i64: 1000, 1>}, {transform_indices = @transform_3, window_bounds = array<i64: 1000, 1>}, {transform_indices = @transform_4, window_bounds = array<i64: 1000, 128>}]} {
    %get3A = arith.constant 0 : index
    %get3A_0 = arith.constant 0 : index
    %get3A_1 = vector.load %arg3[%get3A, %get3A_0] : memref<1000x1xf32, #tpu.memory_space<vmem>>, vector<1000x1xf32>
    %get3A_2 = arith.constant 0 : index
    %get3A_3 = arith.constant 0 : index
    %get3A_4 = vector.load %arg4[%get3A_2, %get3A_3] : memref<1000x1xf32, #tpu.memory_space<vmem>>, vector<1000x1xf32>
    %add3A = arith.addf %get3A_1, %get3A_4 : vector<1000x1xf32>
    %add3A_5 = arith.constant 1.000000e+00 : f32
    %add3A_6 = vector.broadcast %add3A_5 : f32 to vector<1000x1xf32>
    %add3A_7 = arith.addf %add3A, %add3A_6 : vector<1000x1xf32>
    %rsqrt3A = math.rsqrt %add3A_7 : vector<1000x1xf32>
    %get3A_8 = arith.constant 0 : index
    %get3A_9 = arith.constant 0 : index
    %get3A_10 = vector.load %arg1[%get3A_8, %get3A_9] : memref<1000x128xf32, #tpu.memory_space<vmem>>, vector<1000x128xf32>
    %get3A_11 = arith.constant 0 : index
    %get3A_12 = arith.constant 0 : index
    %get3A_13 = vector.load %arg2[%get3A_11, %get3A_12] : memref<128x128xf32, #tpu.memory_space<vmem>>, vector<128x128xf32>
    %dot_general3A = arith.constant dense<0.000000e+00> : vector<1000x128xf32>
    %dot_general3A_14 = tpu.matmul %get3A_10, %get3A_13, %dot_general3A {dimension_numbers = #tpu.dot_dimension_numbers<[1], [0], [0], [1], [0, 0, 1, 1], [], []>, transpose_lhs_hint = false} : vector<1000x128xf32>, vector<128x128xf32>, vector<1000x128xf32> -> vector<1000x128xf32>
    %mul3A = vector.broadcast %rsqrt3A : vector<1000x1xf32> to vector<1000x128xf32>
    %mul3A_15 = arith.mulf %dot_general3A_14, %mul3A : vector<1000x128xf32>
    %swap3A = arith.constant 0 : index
    %swap3A_16 = arith.constant 0 : index
    %swap3A_17 = vector.load %arg5[%swap3A, %swap3A_16] : memref<1000x128xf32, #tpu.memory_space<vmem>>, vector<1000x128xf32>
    tpu.vector_store %arg5[%swap3A, %swap3A_16], %mul3A_15 {strides = array<i32>} : memref<1000x128xf32, #tpu.memory_space<vmem>>, vector<1000x128xf32>,
    return
  }
  func.func @transform_0(%arg0: i32) -> (i32, i32) {
    %c0_i32 = arith.constant 0 : i32
    %c0_i32_0 = arith.constant 0 : i32
    return %arg0, %c0_i32 : i32, i32
  }
  func.func @transform_1(%arg0: i32) -> (i32, i32) {
    %c0_i32 = arith.constant 0 : i32
    %c0_i32_0 = arith.constant 0 : i32
    %c0_i32_1 = arith.constant 0 : i32
    return %c0_i32, %c0_i32_0 : i32, i32
  }
  func.func @transform_2(%arg0: i32) -> (i32, i32) {
    %c0_i32 = arith.constant 0 : i32
    %c0_i32_0 = arith.constant 0 : i32
    return %arg0, %c0_i32 : i32, i32
  }
  func.func @transform_3(%arg0: i32) -> (i32, i32) {
    %c0_i32 = arith.constant 0 : i32
    %c0_i32_0 = arith.constant 0 : i32
    return %arg0, %c0_i32 : i32, i32
  }
  func.func @transform_4(%arg0: i32) -> (i32, i32) {
    %c0_i32 = arith.constant 0 : i32
    %c0_i32_0 = arith.constant 0 : i32
    return %arg0, %c0_i32 : i32, i32
  }
}

module attributes {stable_mosaic.version = 14 : i64} {
  func.func @_final_body(%arg0: i32, %arg1: memref<1000x128xf32, #tpu.memory_space<vmem>>, %arg2: memref<1000x128xf32, #tpu.memory_space<vmem>>, %arg3: memref<1000x128xf32, #tpu.memory_space<vmem>>, %arg4: memref<1000x128xf32, #tpu.memory_space<vmem>>, %arg5: memref<1000x1xf32, #tpu.memory_space<vmem>>, %arg6: memref<1000x1xf32, #tpu.memory_space<vmem>>, %arg7: memref<1x128xf32, #tpu.memory_space<vmem>>, %arg8: memref<1x128xf32, #tpu.memory_space<vmem>>, %arg9: memref<1x128xf32, #tpu.memory_space<vmem>>, %arg10: memref<128x256xf32, #tpu.memory_space<vmem>>, %arg11: memref<1x256xf32, #tpu.memory_space<vmem>>, %arg12: memref<256x128xf32, #tpu.memory_space<vmem>>, %arg13: memref<1x128xf32, #tpu.memory_space<vmem>>, %arg14: memref<1x128xf32, #tpu.memory_space<vmem>>, %arg15: memref<1x128xf32, #tpu.memory_space<vmem>>, %arg16: memref<1000x128xf32, #tpu.memory_space<vmem>>) attributes {dimension_semantics = [#tpu.dimension_semantics<arbitrary>], iteration_bounds = array<i64: 10>, scalar_prefetch = 0 : i64, scratch_operands = 0 : i64, tpu.core_type = #tpu.core_type<tc>, window_params = [{transform_indices = @transform_0, window_bounds = array<i64: 1000, 128>}, {transform_indices = @transform_1, window_bounds = array<i64: 1000, 128>}, {transform_indices = @transform_2, window_bounds = array<i64: 1000, 128>}, {transform_indices = @transform_3, window_bounds = array<i64: 1000, 128>}, {transform_indices = @transform_4, window_bounds = array<i64: 1000, 1>}, {transform_indices = @transform_5, window_bounds = array<i64: 1000, 1>}, {pipeline_mode = #tpu.pipeline_mode<synchronous>, transform_indices = @transform_6, window_bounds = array<i64: 1, 128>}, {pipeline_mode = #tpu.pipeline_mode<synchronous>, transform_indices = @transform_7, window_bounds = array<i64: 1, 128>}, {pipeline_mode = #tpu.pipeline_mode<synchronous>, transform_indices = @transform_8, window_bounds = array<i64: 1, 128>}, {pipeline_mode = #tpu.pipeline_mode<synchronous>, transform_indices = @transform_9, window_bounds = array<i64: 128, 256>}, {pipeline_mode = #tpu.pipeline_mode<synchronous>, transform_indices = @transform_10, window_bounds = array<i64: 1, 256>}, {pipeline_mode = #tpu.pipeline_mode<synchronous>, transform_indices = @transform_11, window_bounds = array<i64: 256, 128>}, {pipeline_mode = #tpu.pipeline_mode<synchronous>, transform_indices = @transform_12, window_bounds = array<i64: 1, 128>}, {pipeline_mode = #tpu.pipeline_mode<synchronous>, transform_indices = @transform_13, window_bounds = array<i64: 1, 128>}, {pipeline_mode = #tpu.pipeline_mode<synchronous>, transform_indices = @transform_14, window_bounds = array<i64: 1, 128>}, {transform_indices = @transform_15, window_bounds = array<i64: 1000, 128>}]} {
    %get3A = arith.constant 0 : index
    %get3A_0 = arith.constant 0 : index
    %get3A_1 = vector.load %arg5[%get3A, %get3A_0] : memref<1000x1xf32, #tpu.memory_space<vmem>>, vector<1000x1xf32>
    %get3A_2 = arith.constant 0 : index
    %get3A_3 = arith.constant 0 : index
    %get3A_4 = vector.load %arg6[%get3A_2, %get3A_3] : memref<1000x1xf32, #tpu.memory_space<vmem>>, vector<1000x1xf32>
    %add3A = arith.addf %get3A_1, %get3A_4 : vector<1000x1xf32>
    %add3A_5 = arith.constant 1.000000e+00 : f32
    %add3A_6 = vector.broadcast %add3A_5 : f32 to vector<1000x1xf32>
    %add3A_7 = arith.addf %add3A, %add3A_6 : vector<1000x1xf32>
    %rsqrt3A = math.rsqrt %add3A_7 : vector<1000x1xf32>
    %get3A_8 = arith.constant 0 : index
    %get3A_9 = arith.constant 0 : index
    %get3A_10 = vector.load %arg3[%get3A_8, %get3A_9] : memref<1000x128xf32, #tpu.memory_space<vmem>>, vector<1000x128xf32>
    %get3A_11 = arith.constant 0 : index
    %get3A_12 = arith.constant 0 : index
    %get3A_13 = vector.load %arg4[%get3A_11, %get3A_12] : memref<1000x128xf32, #tpu.memory_space<vmem>>, vector<1000x128xf32>
    %add3A_14 = arith.addf %get3A_10, %get3A_13 : vector<1000x128xf32>
    %get3A_15 = arith.constant 0 : index
    %get3A_16 = arith.constant 0 : index
    %get3A_17 = vector.load %arg2[%get3A_15, %get3A_16] : memref<1000x128xf32, #tpu.memory_space<vmem>>, vector<1000x128xf32>
    %add3A_18 = arith.addf %add3A_14, %get3A_17 : vector<1000x128xf32>
    %get3A_19 = arith.constant 0 : index
    %get3A_20 = arith.constant 0 : index
    %get3A_21 = vector.load %arg1[%get3A_19, %get3A_20] : memref<1000x128xf32, #tpu.memory_space<vmem>>, vector<1000x128xf32>
    %mul3A = vector.broadcast %rsqrt3A : vector<1000x1xf32> to vector<1000x128xf32>
    %mul3A_22 = arith.mulf %mul3A, %add3A_18 : vector<1000x128xf32>
    %add3A_23 = arith.addf %get3A_21, %mul3A_22 : vector<1000x128xf32>
    %get3A_24 = arith.constant 0 : index
    %get3A_25 = arith.constant 0 : index
    %get3A_26 = vector.load %arg7[%get3A_24, %get3A_25] : memref<1x128xf32, #tpu.memory_space<vmem>>, vector<1x128xf32>
    %add3A_27 = vector.broadcast %get3A_26 : vector<1x128xf32> to vector<1000x128xf32>
    %add3A_28 = arith.addf %add3A_23, %add3A_27 : vector<1000x128xf32>
    %get3A_29 = arith.constant 0 : index
    %get3A_30 = arith.constant 0 : index
    %get3A_31 = vector.load %arg8[%get3A_29, %get3A_30] : memref<1x128xf32, #tpu.memory_space<vmem>>, vector<1x128xf32>
    %mul3A_32 = arith.constant 0.999994993 : f32
    %mul3A_33 = vector.broadcast %mul3A_32 : f32 to vector<1000x128xf32>
    %mul3A_34 = arith.mulf %add3A_28, %mul3A_33 : vector<1000x128xf32>
    %mul3A_35 = vector.broadcast %get3A_31 : vector<1x128xf32> to vector<1000x128xf32>
    %mul3A_36 = arith.mulf %mul3A_35, %mul3A_34 : vector<1000x128xf32>
    %get3A_37 = arith.constant 0 : index
    %get3A_38 = arith.constant 0 : index
    %get3A_39 = vector.load %arg9[%get3A_37, %get3A_38] : memref<1x128xf32, #tpu.memory_space<vmem>>, vector<1x128xf32>
    %add3A_40 = vector.broadcast %get3A_39 : vector<1x128xf32> to vector<1000x128xf32>
    %add3A_41 = arith.addf %mul3A_36, %add3A_40 : vector<1000x128xf32>
    %get3A_42 = arith.constant 0 : index
    %get3A_43 = arith.constant 0 : index
    %get3A_44 = vector.load %arg10[%get3A_42, %get3A_43] : memref<128x256xf32, #tpu.memory_space<vmem>>, vector<128x256xf32>
    %dot_general3A = arith.constant dense<0.000000e+00> : vector<1000x256xf32>
    %dot_general3A_45 = tpu.matmul %add3A_41, %get3A_44, %dot_general3A {dimension_numbers = #tpu.dot_dimension_numbers<[1], [0], [0], [1], [0, 0, 1, 1], [], []>, transpose_lhs_hint = false} : vector<1000x128xf32>, vector<128x256xf32>, vector<1000x256xf32> -> vector<1000x256xf32>
    %get3A_46 = arith.constant 0 : index
    %get3A_47 = arith.constant 0 : index
    %get3A_48 = vector.load %arg11[%get3A_46, %get3A_47] : memref<1x256xf32, #tpu.memory_space<vmem>>, vector<1x256xf32>
    %add3A_49 = vector.broadcast %get3A_48 : vector<1x256xf32> to vector<1000x256xf32>
    %add3A_50 = arith.addf %dot_general3A_45, %add3A_49 : vector<1000x256xf32>
    %max3A = arith.constant 0.000000e+00 : f32
    %max3A_51 = vector.broadcast %max3A : f32 to vector<1000x256xf32>
    %max3A_52 = arith.maximumf %add3A_50, %max3A_51 : vector<1000x256xf32>
    %get3A_53 = arith.constant 0 : index
    %get3A_54 = arith.constant 0 : index
    %get3A_55 = vector.load %arg12[%get3A_53, %get3A_54] : memref<256x128xf32, #tpu.memory_space<vmem>>, vector<256x128xf32>
    %dot_general3A_56 = arith.constant dense<0.000000e+00> : vector<1000x128xf32>
    %dot_general3A_57 = tpu.matmul %max3A_52, %get3A_55, %dot_general3A_56 {dimension_numbers = #tpu.dot_dimension_numbers<[1], [0], [0], [1], [0, 0, 1, 1], [], []>, transpose_lhs_hint = false} : vector<1000x256xf32>, vector<256x128xf32>, vector<1000x128xf32> -> vector<1000x128xf32>
    %add3A_58 = arith.addf %add3A_41, %dot_general3A_57 : vector<1000x128xf32>
    %get3A_59 = arith.constant 0 : index
    %get3A_60 = arith.constant 0 : index
    %get3A_61 = vector.load %arg13[%get3A_59, %get3A_60] : memref<1x128xf32, #tpu.memory_space<vmem>>, vector<1x128xf32>
    %add3A_62 = vector.broadcast %get3A_61 : vector<1x128xf32> to vector<1000x128xf32>
    %add3A_63 = arith.addf %add3A_58, %add3A_62 : vector<1000x128xf32>
    %get3A_64 = arith.constant 0 : index
    %get3A_65 = arith.constant 0 : index
    %get3A_66 = vector.load %arg14[%get3A_64, %get3A_65] : memref<1x128xf32, #tpu.memory_space<vmem>>, vector<1x128xf32>
    %mul3A_67 = arith.constant 0.999994993 : f32
    %mul3A_68 = vector.broadcast %mul3A_67 : f32 to vector<1000x128xf32>
    %mul3A_69 = arith.mulf %add3A_63, %mul3A_68 : vector<1000x128xf32>
    %mul3A_70 = vector.broadcast %get3A_66 : vector<1x128xf32> to vector<1000x128xf32>
    %mul3A_71 = arith.mulf %mul3A_70, %mul3A_69 : vector<1000x128xf32>
    %get3A_72 = arith.constant 0 : index
    %get3A_73 = arith.constant 0 : index
    %get3A_74 = vector.load %arg15[%get3A_72, %get3A_73] : memref<1x128xf32, #tpu.memory_space<vmem>>, vector<1x128xf32>
    %add3A_75 = vector.broadcast %get3A_74 : vector<1x128xf32> to vector<1000x128xf32>
    %add3A_76 = arith.addf %mul3A_71, %add3A_75 : vector<1000x128xf32>
    %swap3A = arith.constant 0 : index
    %swap3A_77 = arith.constant 0 : index
    %swap3A_78 = vector.load %arg16[%swap3A, %swap3A_77] : memref<1000x128xf32, #tpu.memory_space<vmem>>, vector<1000x128xf32>
    tpu.vector_store %arg16[%swap3A, %swap3A_77], %add3A_76 {strides = array<i32>} : memref<1000x128xf32, #tpu.memory_space<vmem>>, vector<1000x128xf32>,
    return
  }
  func.func @transform_0(%arg0: i32) -> (i32, i32) {
    %c0_i32 = arith.constant 0 : i32
    %c0_i32_0 = arith.constant 0 : i32
    return %arg0, %c0_i32 : i32, i32
  }
  func.func @transform_1(%arg0: i32) -> (i32, i32) {
    %c0_i32 = arith.constant 0 : i32
    %c0_i32_0 = arith.constant 0 : i32
    return %arg0, %c0_i32 : i32, i32
  }
  func.func @transform_2(%arg0: i32) -> (i32, i32) {
    %c0_i32 = arith.constant 0 : i32
    %c0_i32_0 = arith.constant 0 : i32
    return %arg0, %c0_i32 : i32, i32
  }
  func.func @transform_3(%arg0: i32) -> (i32, i32) {
    %c0_i32 = arith.constant 0 : i32
    %c0_i32_0 = arith.constant 0 : i32
    return %arg0, %c0_i32 : i32, i32
  }
  func.func @transform_4(%arg0: i32) -> (i32, i32) {
    %c0_i32 = arith.constant 0 : i32
    %c0_i32_0 = arith.constant 0 : i32
    return %arg0, %c0_i32 : i32, i32
  }
  func.func @transform_5(%arg0: i32) -> (i32, i32) {
    %c0_i32 = arith.constant 0 : i32
    %c0_i32_0 = arith.constant 0 : i32
    return %arg0, %c0_i32 : i32, i32
  }
  func.func @transform_6(%arg0: i32) -> (i32, i32) {
    %c0_i32 = arith.constant 0 : i32
    %c0_i32_0 = arith.constant 0 : i32
    %c0_i32_1 = arith.constant 0 : i32
    return %c0_i32, %c0_i32_0 : i32, i32
  }
  func.func @transform_7(%arg0: i32) -> (i32, i32) {
    %c0_i32 = arith.constant 0 : i32
    %c0_i32_0 = arith.constant 0 : i32
    %c0_i32_1 = arith.constant 0 : i32
    return %c0_i32, %c0_i32_0 : i32, i32
  }
  func.func @transform_8(%arg0: i32) -> (i32, i32) {
    %c0_i32 = arith.constant 0 : i32
    %c0_i32_0 = arith.constant 0 : i32
    %c0_i32_1 = arith.constant 0 : i32
    return %c0_i32, %c0_i32_0 : i32, i32
  }
  func.func @transform_9(%arg0: i32) -> (i32, i32) {
    %c0_i32 = arith.constant 0 : i32
    %c0_i32_0 = arith.constant 0 : i32
    %c0_i32_1 = arith.constant 0 : i32
    return %c0_i32, %c0_i32_0 : i32, i32
  }
  func.func @transform_10(%arg0: i32) -> (i32, i32) {
    %c0_i32 = arith.constant 0 : i32
    %c0_i32_0 = arith.constant 0 : i32
    %c0_i32_1 = arith.constant 0 : i32
    return %c0_i32, %c0_i32_0 : i32, i32
  }
  func.func @transform_11(%arg0: i32) -> (i32, i32) {
    %c0_i32 = arith.constant 0 : i32
    %c0_i32_0 = arith.constant 0 : i32
    %c0_i32_1 = arith.constant 0 : i32
    return %c0_i32, %c0_i32_0 : i32, i32
  }
  func.func @transform_12(%arg0: i32) -> (i32, i32) {
    %c0_i32 = arith.constant 0 : i32
    %c0_i32_0 = arith.constant 0 : i32
    %c0_i32_1 = arith.constant 0 : i32
    return %c0_i32, %c0_i32_0 : i32, i32
  }
  func.func @transform_13(%arg0: i32) -> (i32, i32) {
    %c0_i32 = arith.constant 0 : i32
    %c0_i32_0 = arith.constant 0 : i32
    %c0_i32_1 = arith.constant 0 : i32
    return %c0_i32, %c0_i32_0 : i32, i32
  }
  func.func @transform_14(%arg0: i32) -> (i32, i32) {
    %c0_i32 = arith.constant 0 : i32
    %c0_i32_0 = arith.constant 0 : i32
    %c0_i32_1 = arith.constant 0 : i32
    return %c0_i32, %c0_i32_0 : i32, i32
  }
  func.func @transform_15(%arg0: i32) -> (i32, i32) {
    %c0_i32 = arith.constant 0 : i32
    %c0_i32_0 = arith.constant 0 : i32
    return %arg0, %c0_i32 : i32, i32
  }
}

</mosaic_0001>

<sc_bundles>
// kernel: kernel.6.cloned.1.call-start
scs
__scs_entry_jumppad:
0x0: {  	(pc) =	sbr.rel $0x88, $3  }
0x1: {  	(tag) =	ssettag $0x0;
	lr =	simm.s32 $0x1  }
0x2: {  	[smem:$0x3F95] =	sst lr;
	_ =	strace $0xD0000000  }
0x3: {  	_ = 	snop  }
0x4: {  	_ = 	snop  }
0x5: {  	_ = 	snop  }
0x6: {  	_ = 	snop  }
0x7: {  	_ = 	snop  }
__scs_overlays_trampoline_lowered:
0x8: {  	[smem:$0x3FA4] =	sst s0  }
0x9: {  	[smem:$0x3FA5] =	sst s1  }
0xa: {  	[smem:$0x3FA6] =	sst s2  }
0xb: {  	[smem:$0x3FA7] =	sst s3  }
0xc: {  	[smem:$0x3FA8] =	sst s4  }
0xd: {  	[smem:$0x3FA9] =	sst s5  }
0xe: {  	[smem:$0x3FAA] =	sst s6  }
0xf: {  	[smem:$0x3FAB] =	sst s7  }
0x10: {  	[smem:$0x3FAC] =	sst s8  }
0x11: {  	[smem:$0x3FAD] =	sst s9;
	s0 =	simm.s32 @!p0 $0x0  }
0x12: {  	s1 =	sld [smem:$0x3F93];
	s0 =	simm.s32 @p0 $0x1  }
0x13: {  	[smem:$0x3FAE] =	sst s0;
	s0 =	simm.s32 @!p1 $0x0  }
0x14: {  	s2 =	sld [smem:$0x3F92];
	s0 =	simm.s32 @p1 $0x1  }
0x15: {  	[smem:$0x3FAF] =	sst s0;
	s0 =	simm.s32 @!p2 $0x0  }
0x16: {  	s3 =	sld [smem:$0x3FDB];
	s0 =	simm.s32 @p2 $0x1  }
0x17: {  	s4 =	simm.s32 $0x1BF5;
	[smem:$0x3FB1] =	sst s0  }
0x18: {  	s0 =	sld [smem:$0x3F94];
	_ =	swait.ge [sflag:s4], $0x0  }
0x19: {  	s7 =	sld [smem:$0x3F95]  }
0x1a: {  	s8 =	sadd.s32 $0xFFFFE003, lr  }
0x1b: {  	s9 =	sadd.s32 $0xFFFFFEF7, lr;
	s5 =	simm.s32 $0xFFFFFFFF;
	p2 =	slt.u32 s8, $0xFFFFF086  }
0x1c: {  	p1 =	slt.u32 s9, $0xF7A;
	s5 =	simm.s32 @!p2 $0x0  }
0x1d: {  	s5 =	simm.s32 @p1 $0x1;
	p0 =	seq.s32 s7, s2  }
0x1e: {  	s7 =	smul.u32 @!p0 $0xF7A, s2;
	p2 =	seq.s32 @!p0 s5, $0x0  }
0x1f: {  	s9 =	smul.u32 $0xF7A, s1;
	s8 =	simm.s32 @!p0 $0x1BF5;
	p2 =	por !p2, p0  }
0x20: {  	[sflag:s8] =	ssyncset.s32 @!p0 $0xFFFFF086;
	s6 =	sadd.s32 @!p0 s3, s7;
	s7 =	simm.s32 @!p0 $0x108  }
0x21: {  	s3 =	sadd.s32 s3, s9;
	s6 =	sadd.s32 @!p0 $0x88, s6;
	s7 =	simm.s32 @p2 $0x1082  }
0x22: {  	[simem:s7], [sflag:s8] =	dma.local @!p0 [hbm:s6], $0xF7A  }
0x23: {  	s9 =	sor.u32 $0xD0000000, s2;
	s6 =	simm.s32 $0x108;
	_ =	swait.ge @!p0 [sflag:s8], $0x0  }
0x24: {  	s3 =	sadd.s32 $0x88, s3;
	s6 =	simm.s32 @!p1 $0x1082;
	[sflag:s4] =	ssyncset.s32 $0xFFFFF086  }
0x25: {  	[simem:s6], [sflag:s4] =	dma.local [hbm:s3], $0xF7A  }
0x26: {  	[smem:$0x3F95] =	sst s1;
	(tag) =	ssettag s2;
	_ =	strace s9  }
0x27: {  	s1 =	sld [smem:$0x3FA5]  }
0x28: {  	s2 =	sld [smem:$0x3FA6]  }
0x29: {  	s4 =	sld [smem:$0x3FA8]  }
0x2a: {  	p0 =	seq.s32 s5, $0x0;
	s5 =	sld [smem:$0x3FA9]  }
0x2b: {  	s6 =	sld [smem:$0x3FAA]  }
0x2c: {  	s7 =	sld [smem:$0x3FAB]  }
0x2d: {  	s3 =	simm.s32 $0x108;
	s8 =	sld [smem:$0x3FAC]  }
0x2e: {  	s3 =	simm.s32 @!p0 $0x1082;
	s9 =	sld [smem:$0x3FAD]  }
0x2f: {  	lr =	sadd.s32 s0, s3;
	s0 =	sld [smem:$0x3FA4]  }
0x30: {  	s3 =	sld [smem:$0x3FA7]  }
0x31: {  	[smem:$0x3FB0] =	sst s10  }
0x32: {  	s10 =	sld [smem:$0x3FAE];
	_ =	sdelay $0x3  }
0x33: {  	p0 =	seq.s32 s10, $0x1;
	s10 =	sld [smem:$0x3FB0];
	_ =	sdelay $0x3  }
0x34: {  	[smem:$0x3FB0] =	sst s10  }
0x35: {  	s10 =	sld [smem:$0x3FAF];
	_ =	sdelay $0x3  }
0x36: {  	p1 =	seq.s32 s10, $0x1;
	s10 =	sld [smem:$0x3FB0];
	_ =	sdelay $0x3  }
0x37: {  	[smem:$0x3FB0] =	sst s10  }
0x38: {  	s10 =	sld [smem:$0x3FB1]  }
0x39: {  	_ = 	snop;
	(pc) =	sbr.ind lr, $3  }
0x3a: {  	_ = 	snop  }
0x3b: {  	_ = 	snop  }
0x3c: {  	p2 =	seq.s32 s10, $0x1;
	s10 =	sld [smem:$0x3FB0]  }
0x3d: {  	_ =	shalt  }
0x3e: {  	_ =	shalt  }
0x3f: {  	_ =	shalt  }
0x40: {  	_ =	shalt  }
0x41: {  	_ =	shalt  }
0x42: {  	_ =	shalt  }
0x43: {  	_ =	shalt  }
0x44: {  	_ =	shalt  }
0x45: {  	_ =	shalt  }
0x46: {  	_ =	shalt  }
0x47: {  	_ =	shalt  }
0x48: {  	_ =	shalt  }
0x49: {  	_ =	shalt  }
0x4a: {  	_ =	shalt  }
0x4b: {  	_ =	shalt  }
0x4c: {  	_ =	shalt  }
0x4d: {  	_ =	shalt  }
0x4e: {  	_ =	shalt  }
0x4f: {  	_ =	shalt  }
0x50: {  	_ =	shalt  }
0x51: {  	_ =	shalt  }
0x52: {  	_ =	shalt  }
0x53: {  	_ =	shalt  }
0x54: {  	_ =	shalt  }
0x55: {  	_ =	shalt  }
0x56: {  	_ =	shalt  }
0x57: {  	_ =	shalt  }
0x58: {  	_ =	shalt  }
0x59: {  	_ =	shalt  }
0x5a: {  	_ =	shalt  }
0x5b: {  	_ =	shalt  }
0x5c: {  	_ =	shalt  }
0x5d: {  	_ =	shalt  }
0x5e: {  	_ =	shalt  }
0x5f: {  	_ =	shalt  }
0x60: {  	_ =	shalt  }
0x61: {  	_ =	shalt  }
0x62: {  	_ =	shalt  }
0x63: {  	_ =	shalt  }
0x64: {  	_ =	shalt  }
0x65: {  	_ =	shalt  }
0x66: {  	_ =	shalt  }
0x67: {  	_ =	shalt  }
0x68: {  	_ =	shalt  }
0x69: {  	_ =	shalt  }
0x6a: {  	_ =	shalt  }
0x6b: {  	_ =	shalt  }
0x6c: {  	_ =	shalt  }
0x6d: {  	_ =	shalt  }
0x6e: {  	_ =	shalt  }
0x6f: {  	_ =	shalt  }
0x70: {  	_ =	shalt  }
0x71: {  	_ =	shalt  }
0x72: {  	_ =	shalt  }
0x73: {  	_ =	shalt  }
0x74: {  	_ =	shalt  }
0x75: {  	_ =	shalt  }
0x76: {  	_ =	shalt  }
0x77: {  	_ =	shalt  }
0x78: {  	_ =	shalt  }
0x79: {  	_ =	shalt  }
0x7a: {  	_ =	shalt  }
0x7b: {  	_ =	shalt  }
0x7c: {  	_ =	shalt  }
0x7d: {  	_ =	shalt  }
0x7e: {  	_ =	shalt  }
0x7f: {  	_ =	shalt  }
0x80: {  	_ =	shalt  }
0x81: {  	_ =	shalt  }
0x82: {  	_ =	shalt  }
0x83: {  	_ =	shalt  }
0x84: {  	_ =	shalt  }
0x85: {  	_ =	shalt  }
0x86: {  	_ =	shalt  }
0x87: {  	_ =	shalt  }
.Lfunc_end0:
.L_simem_size_0:
called_computation_lowered:
.L_overlay_start_0:
0x88: {  	s2 =	sld [smem:$0x3FD9]  }
0x89: {  	s3 =	sld [smem:$0x3FFE];
	_ =	sdelay $0x1  }
0x8a: {  	s1 =	srdreg.scid  }
0x8b: {  	s0 =	sand.u32 $0x1, s1  }
0x8c: {  	s17 =	sshll.u32 s0, $0xA;
	s2 =	sadd.s32 s3, s2  }
0x8d: {  	s2 =	sadd.s32 s2, s17  }
0x8e: {  	[smem:$0x3FBC] =	sst s2  }
0x8f: {  	_ = 	snop  }
0x90: {  	s2 =	sld [smem:$0x3FD0];
	(tm) =	ssettm $0x1  }
0x91: {  	s18 =	sld [smem:$0x3FFB];
	_ =	sdelay $0x3  }
0x92: {  	_ =	strace s18  }
0x93: {  	s3 =	sld [smem:$0x3FFC];
	_ =	sdelay $0x3  }
0x94: {  	_ =	strace s3  }
0x95: {  	s3 =	sld [smem:$0x3FFD];
	_ =	sdelay $0x3  }
0x96: {  	_ =	strace s3  }
0x97: {  	_ =	strace $0x8FFFFFFF  }
0x98: {  	s19 =	sld [smem:$0x3FDB];
	_ =	sdelay $0x1  }
0x99: {  	s4 =	simm.s32 $_scs_section_size  }
0x9a: {  	s5 =	simm.s32 $_size__tile_overlayer_lowered;
	s6 =	simm.s32 $_tile_overlayer_lowered  }
0x9b: {  	s22 =	simm.s32 $0x1BFF;
	s21 =	sshll.u32 s6, $0x1;
	s3 =	sadd.s32 s4, s19  }
0x9c: {  	s7 =	simm.s32 $0x0;
	s20 =	sshll.u32 s5, $0x1;
	s5 =	sadd.s32 s21, s3  }
0x9d: {  	[timem:s7], [sflag:s22] =	dma.local [hbm:s5], s20  }
0x9e: {  	_ =	swait.ge [sflag:s22], s20  }
0x9f: {  	s4 =	ssub.s32 $0x0, s20;
	[sflag:s22] =	ssyncset.done $0x0  }
0xa0: {  	[sflag:s22] =	ssyncadd.s32 s4;
	_ =	sdelay $0x1  }
0xa1: {  	s23 =	simm.s32 $0x1B8B  }
0xa2: {  	_ =	swait.ge [sflag:s23], $0x1  }
0xa3: {  	[sflag:s23] =	ssyncset.done $0x0  }
0xa4: {  	s25 =	simm.s32 $0x1B8E;
	s24 =	sld [smem:$0x3FFE];
	[sflag:s23] =	ssyncadd.s32 $0xFFFFFFFF  }
0xa5: {  	s26 =	simm.s32 $execute0_lowered;
	[smem:$0x3FD2] =	sst s25  }
0xa6: {  	s5 =	sshll.u32 s26, $0x1;
	_ =	strace $0x80000046;
	[dreg:$0x1] =	wrdreg $0xFFFFFFFF  }
0xa7: {  	s28 =	simm.s32 $_size_execute0_lowered;
	s3 =	sadd.s32 s3, s5;
	[dreg:$0x0] =	wrdreg $0x0  }
0xa8: {  	s5 =	sshll.u32 s28, $0x1;
	[dreg:$0x2] =	wrdreg s3  }
0xa9: {  	[dreg:$0x3] =	wrdreg s5  }
0xaa: {  	[dreg:$0x4] =	wrdreg $0xC0  }
0xab: {  	_ =	task [dreg:s7], $0x5FFFF  }
0xac: {  	[dreg:$0x1] =	wrdreg $0xFFFFFFFF  }
0xad: {  	[dreg:$0x0] =	wrdreg $0x60  }
0xae: {  	[dreg:$0x2] =	wrdreg s24  }
0xaf: {  	[dreg:$0x3] =	wrdreg s2  }
0xb0: {  	[dreg:$0x4] =	wrdreg $0x5000  }
0xb1: {  	[dreg:$0x5] =	wrdreg $0x9  }
0xb2: {  	_ =	task.clear_ibuf [dreg:s7], $0x6FFFF;
	_ =	strace $0x90000046  }
0xb3: {  	s29 =	simm.s32 $0x9;
	_ =	strace $0x80000048  }
0xb4: {  	_ =	swait.ge [sflag:s29], $0x1  }
0xb5: {  	[sflag:s29] =	ssyncadd.s32 $0xFFFFFFFF  }
0xb6: {  	_ =	strace $0x90000048  }
0xb7: {  	_ =	sfence  }
0xb8: {  	s30 =	sld [smem:$0x0];
	_ =	sdelay $0x2  }
0xb9: {  	s31 =	sshll.u32 s1, $0xD;
	s1 =	sshrl.u32 s1, $0x2  }
0xba: {  	s3 =	sand.u32 $0x4000, s31;
	s1 =	sadd.s32 s1, s30  }
0xbb: {  	s0 =	sor.u32 s3, s0;
	s1 =	sshll.u32 s1, $0x11  }
0xbc: {  	s0 =	sor.u32 s1, s0  }
0xbd: {  	s0 =	sadd.s32 $0x8F2B, s0  }
0xbe: {  	[sflag:s0] =	ssyncadd.remote.s32 $0x1  }
0xbf: {  	_ =	sfence.sel $0xFFFF  }
0xc0: {  	[dreg:$0x0] =	wrdreg $0xFFFFFFFF;
	(pc) =	sbr.abs _section_cstart, $3  }
0xc1: {  	[dreg:$0x1] =	wrdreg $0xFFFFFFFF  }
0xc2: {  	_ =	task.clear_ibuf [dreg:s7], $0x2FFFF;
	_ =	strace $0x9FFFFFFF  }
0xc3: {  	(tm) =	ssettm $0x7FFFFFFF  }
tec
execute0_lowered:
.L_overlay_start_1:
0x0: {  	(tag) =	ssettag $0x1  }
0x1: {  	s0 =	rddreg [dreg:$0x0]  }
0x2: {  	s1 =	srdreg.scid;
	s4 =	rddreg [dreg:$0x1]  }
0x3: {  	s7 =	stileid.u32;
	s2 =	rddreg [dreg:$0x2];
	s3 =	simm.s32 $0x0  }
0x4: {  	s12 =	simm.s32 $0x11;
	s13 =	simm.s32 $0x80;
	s14 =	simm.s32 $0x100  }
0x5: {  	s15 =	simm.s32 $0x180;
	s16 =	simm.s32 $0x200;
	s17 =	simm.s32 $0x280  }
0x6: {  	s18 =	simm.s32 $0x300;
	s28 =	simm.s32 $0x7;
	s29 =	simm.s32 $0x8  }
0x7: {  	s30 =	simm.s32 $0x9;
	s31 =	simm.s32 $0xA;
	s6 =	smul.u32 $0x2800, s7  }
0x8: {  	s9 =	simm.s32 $0x0;
	s1 =	sand.u32 $0x1, s1;
	s19 =	smul.u32 $0x280, s7  }
0x9: {  	[smem:$0x7FF] =	sst s3;
	s7 =	simm.s32 $0xF;
	s5 =	smul.u32 $0x28000, s1  }
0xa: {  	_ =	strace $0x80000047;
	s20 =	ssub.s32 $0x2, s1;
	s1 =	smul.u32 $0x2800, s1  }
0xb: {  	s8 =	sshrl.u32 s20, $0x1;
	s10 =	sadd.s32 s19, s2;
	s5 =	sadd.s32 s6, s5  }
0xc: {  	s21 =	ssub.s32 s20, s8;
	s22 =	sadd.s32 $0x80, s10;
	s23 =	sadd.s32 $0x100, s10  }
0xd: {  	s24 =	sadd.s32 $0x180, s10;
	s1 =	sadd.s32 s19, s1;
	[dreg:$0x5] =	wrdreg s10  }
0xe: {  	s25 =	sadd.s32 $0x200, s10;
	s19 =	simm.s32 $0x380;
	[dreg:$0x6] =	wrdreg s22  }
0xf: {  	s20 =	simm.s32 $0x1;
	s6 =	simm.s32 $0xE;
	[dreg:$0x7] =	wrdreg s23  }
0x10: {  	s8 =	simm.s32 $0x10;
	s5 =	sshrl.u32 s5, $0x3;
	[dreg:$0x8] =	wrdreg s24  }
0x11: {  	[dreg:$0x9] =	wrdreg s25;
	s1 =	sshrl.u32 s1, $0x3;
	s26 =	smax.u32 s21, $0x1  }
0x12: {  	s21 =	simm.s32 $0x400;
	s22 =	simm.s32 $0x2;
	s23 =	simm.s32 $0x3  }
0x13: {  	s24 =	simm.s32 $0x4;
	s25 =	simm.s32 $0x5;
	s0 =	sadd.s32 s5, s0  }
0x14: {  	s1 =	sadd.s32 s4, s1;
	[dreg:$0xb] =	wrdreg s26;
	s26 =	simm.s32 $0x6  }
0x15: {  	s5 =	simm.s32 $0xD;
	s0 =	sadd.s32 $0x2800, s0;
	[dreg:$0xa] =	wrdreg s1  }
0x16: {  	v0 =	vimm.f32 $1.000000000e+00;
	v1 =	vimm.f32 $0.0e+00;
	s1 =	simm.s32 $0xB;
	[dreg:$0x4] =	wrdreg s0;
	s0 =	simm.s32 $0xC  }
.LBB2_1:
0x17: {  	[tilespmem:$0x400] =	vst v0  }
0x18: {  	[tilespmem:$0x480] =	vst v1  }
0x19: {  	[tilespmem:$0x410] =	vst v0  }
0x1a: {  	[tilespmem:$0x490] =	vst v1  }
0x1b: {  	[tilespmem:$0x420] =	vst v0  }
0x1c: {  	[tilespmem:$0x4A0] =	vst v1  }
0x1d: {  	[tilespmem:$0x430] =	vst v0  }
0x1e: {  	[tilespmem:$0x4B0] =	vst v1  }
0x1f: {  	[tilespmem:$0x440] =	vst v0  }
0x20: {  	[tilespmem:$0x4C0] =	vst v1  }
0x21: {  	[tilespmem:$0x450] =	vst v0  }
0x22: {  	[tilespmem:$0x4D0] =	vst v1  }
0x23: {  	[tilespmem:$0x460] =	vst v0  }
0x24: {  	[tilespmem:$0x4E0] =	vst v1  }
0x25: {  	[tilespmem:$0x470] =	vst v0  }
0x26: {  	[dreg:$0xc] =	wrdreg s9;
	[tilespmem:$0x4F0] =	vst v1;
	s9 =	simm.s32 $0x480  }
0x27: {  	[spmem:s10] =	stream.linear.scatter [tilespmem:s9], [sflag:$0x11], $0x80, $0x38;
	[tilespmem:$0x780] =	vst v63  }
0x28: {  	_ =	swait.ge [sflag:s12], $0x80  }
0x29: {  	[sflag:s12] =	ssyncset.done $0x0  }
0x2a: {  	s4 =	rddreg [dreg:$0x6];
	[sflag:s12] =	ssyncadd.s32 $0xFFFFFF80  }
0x2b: {  	[spmem:s4] =	stream.linear.scatter [tilespmem:s9], [sflag:$0x11], $0x80, $0x38;
	[tilespmem:$0x780] =	vst v63  }
0x2c: {  	_ =	swait.ge [sflag:s12], $0x80  }
0x2d: {  	[sflag:s12] =	ssyncset.done $0x0  }
0x2e: {  	s10 =	rddreg [dreg:$0x7];
	[sflag:s12] =	ssyncadd.s32 $0xFFFFFF80  }
0x2f: {  	[spmem:s10] =	stream.linear.scatter [tilespmem:s9], [sflag:$0x11], $0x80, $0x38;
	[tilespmem:$0x780] =	vst v63  }
0x30: {  	_ =	swait.ge [sflag:s12], $0x80  }
0x31: {  	[sflag:s12] =	ssyncset.done $0x0  }
0x32: {  	s11 =	rddreg [dreg:$0x8];
	[sflag:s12] =	ssyncadd.s32 $0xFFFFFF80  }
0x33: {  	[spmem:s11] =	stream.linear.scatter [tilespmem:s9], [sflag:$0x11], $0x80, $0x38;
	[tilespmem:$0x780] =	vst v63  }
0x34: {  	_ =	swait.ge [sflag:s12], $0x80  }
0x35: {  	[sflag:s12] =	ssyncset.done $0x0  }
0x36: {  	s10 =	rddreg [dreg:$0x9];
	[sflag:s12] =	ssyncadd.s32 $0xFFFFFF80  }
0x37: {  	[spmem:s10] =	stream.linear.scatter [tilespmem:s9], [sflag:$0x11], $0x80, $0x38;
	[tilespmem:$0x780] =	vst v63  }
0x38: {  	_ =	swait.ge [sflag:s12], $0x80  }
0x39: {  	[sflag:s12] =	ssyncset.done $0x0  }
0x3a: {  	[sflag:s12] =	ssyncadd.s32 $0xFFFFFF80  }
0x3b: {  	[bflag:$0x0] =	sbarrier.arrive $0xFFFF  }
0x3c: {  	s11 =	rddreg [dreg:$0x4]  }
0x3d: {  	s4 =	sadd.s32 $0x0, s11  }
0x3e: {  	[tilespmem:s3], [sflag:$0x1] =	stream.linear.gather [hbm4b:s4+s3], $0x80, $0x38;
	[tilespmem:$0x780] =	vst v63  }
0x3f: {  	s9 =	sadd.s32 $0x10, s4  }
0x40: {  	[tilespmem:s13], [sflag:$0x2] =	stream.linear.gather [hbm4b:s9+s3], $0x80, $0x38;
	[tilespmem:$0x780] =	vst v63  }
0x41: {  	s11 =	sadd.s32 $0x20, s4  }
0x42: {  	[tilespmem:s14], [sflag:$0x3] =	stream.linear.gather [hbm4b:s11+s3], $0x80, $0x38;
	[tilespmem:$0x780] =	vst v63  }
0x43: {  	s9 =	sadd.s32 $0x30, s4  }
0x44: {  	[tilespmem:s15], [sflag:$0x4] =	stream.linear.gather [hbm4b:s9+s3], $0x80, $0x38;
	[tilespmem:$0x780] =	vst v63  }
0x45: {  	s11 =	sadd.s32 $0x40, s4  }
0x46: {  	[tilespmem:s16], [sflag:$0x5] =	stream.linear.gather [hbm4b:s11+s3], $0x80, $0x38;
	[tilespmem:$0x780] =	vst v63  }
0x47: {  	s9 =	sadd.s32 $0x50, s4  }
0x48: {  	[tilespmem:s17], [sflag:$0x6] =	stream.linear.gather [hbm4b:s9+s3], $0x80, $0x38;
	[tilespmem:$0x780] =	vst v63  }
0x49: {  	s11 =	sadd.s32 $0x60, s4  }
0x4a: {  	[tilespmem:s18], [sflag:$0x7] =	stream.linear.gather [hbm4b:s11+s3], $0x80, $0x38;
	[tilespmem:$0x780] =	vst v63  }
0x4b: {  	s4 =	sadd.s32 $0x70, s4  }
0x4c: {  	[tilespmem:s19], [sflag:$0x8] =	stream.linear.gather [hbm4b:s4+s3], $0x80, $0x38;
	[tilespmem:$0x780] =	vst v63  }
0x4d: {  	_ =	swait.ge [sflag:s20], $0x80  }
0x4e: {  	[sflag:s20] =	ssyncset.done $0x0  }
0x4f: {  	[sflag:s20] =	ssyncadd.s32 $0xFFFFFF80  }
0x50: {  	[spmem:s2] =	stream.indirect.scatter.add.f32 [tilespmem:s21], [sflag:$0x9], $0x1, s3, s13, $0xb8;
	[tilespmem:$0x780] =	vst v63  }
0x51: {  	_ =	swait.ge [sflag:s22], $0x80  }
0x52: {  	[sflag:s22] =	ssyncset.done $0x0  }
0x53: {  	[sflag:s22] =	ssyncadd.s32 $0xFFFFFF80  }
0x54: {  	[spmem:s2] =	stream.indirect.scatter.add.f32 [tilespmem:s21], [sflag:$0xA], $0x1, s13, s13, $0xb8;
	[tilespmem:$0x780] =	vst v63  }
0x55: {  	_ =	swait.ge [sflag:s23], $0x80  }
0x56: {  	[sflag:s23] =	ssyncset.done $0x0  }
0x57: {  	[sflag:s23] =	ssyncadd.s32 $0xFFFFFF80  }
0x58: {  	[spmem:s2] =	stream.indirect.scatter.add.f32 [tilespmem:s21], [sflag:$0xB], $0x1, s14, s13, $0xb8;
	[tilespmem:$0x780] =	vst v63  }
0x59: {  	_ =	swait.ge [sflag:s24], $0x80  }
0x5a: {  	[sflag:s24] =	ssyncset.done $0x0  }
0x5b: {  	[sflag:s24] =	ssyncadd.s32 $0xFFFFFF80  }
0x5c: {  	[spmem:s2] =	stream.indirect.scatter.add.f32 [tilespmem:s21], [sflag:$0xC], $0x1, s15, s13, $0xb8;
	[tilespmem:$0x780] =	vst v63  }
0x5d: {  	_ =	swait.ge [sflag:s25], $0x80  }
0x5e: {  	[sflag:s25] =	ssyncset.done $0x0  }
0x5f: {  	[sflag:s25] =	ssyncadd.s32 $0xFFFFFF80  }
0x60: {  	[spmem:s2] =	stream.indirect.scatter.add.f32 [tilespmem:s21], [sflag:$0xD], $0x1, s16, s13, $0xb8;
	[tilespmem:$0x780] =	vst v63  }
0x61: {  	_ =	swait.ge [sflag:s26], $0x80  }
0x62: {  	[sflag:s26] =	ssyncset.done $0x0  }
0x63: {  	[sflag:s26] =	ssyncadd.s32 $0xFFFFFF80  }
0x64: {  	[spmem:s2] =	stream.indirect.scatter.add.f32 [tilespmem:s21], [sflag:$0xE], $0x1, s17, s13, $0xb8;
	[tilespmem:$0x780] =	vst v63  }
0x65: {  	_ =	swait.ge [sflag:s28], $0x80  }
0x66: {  	[sflag:s28] =	ssyncset.done $0x0  }
0x67: {  	[sflag:s28] =	ssyncadd.s32 $0xFFFFFF80  }
0x68: {  	[spmem:s2] =	stream.indirect.scatter.add.f32 [tilespmem:s21], [sflag:$0xF], $0x1, s18, s13, $0xb8;
	[tilespmem:$0x780] =	vst v63  }
0x69: {  	_ =	swait.ge [sflag:s29], $0x80  }
0x6a: {  	[sflag:s29] =	ssyncset.done $0x0  }
0x6b: {  	[sflag:s29] =	ssyncadd.s32 $0xFFFFFF80  }
0x6c: {  	[spmem:s2] =	stream.indirect.scatter.add.f32 [tilespmem:s21], [sflag:$0x10], $0x1, s19, s13, $0xb8;
	[tilespmem:$0x780] =	vst v63  }
0x6d: {  	_ =	swait.ge [sflag:s30], $0x80  }
0x6e: {  	[sflag:s30] =	ssyncset.done $0x0  }
0x6f: {  	[sflag:s30] =	ssyncadd.s32 $0xFFFFFF80  }
0x70: {  	_ =	swait.ge [sflag:s31], $0x80  }
0x71: {  	[sflag:s31] =	ssyncset.done $0x0  }
0x72: {  	[sflag:s31] =	ssyncadd.s32 $0xFFFFFF80  }
0x73: {  	_ =	swait.ge [sflag:s1], $0x80  }
0x74: {  	[sflag:s1] =	ssyncset.done $0x0  }
0x75: {  	[sflag:s1] =	ssyncadd.s32 $0xFFFFFF80  }
0x76: {  	_ =	swait.ge [sflag:s0], $0x80  }
0x77: {  	[sflag:s0] =	ssyncset.done $0x0  }
0x78: {  	[sflag:s0] =	ssyncadd.s32 $0xFFFFFF80  }
0x79: {  	_ =	swait.ge [sflag:s5], $0x80  }
0x7a: {  	[sflag:s5] =	ssyncset.done $0x0  }
0x7b: {  	[sflag:s5] =	ssyncadd.s32 $0xFFFFFF80  }
0x7c: {  	_ =	swait.ge [sflag:s6], $0x80  }
0x7d: {  	[sflag:s6] =	ssyncset.done $0x0  }
0x7e: {  	[sflag:s6] =	ssyncadd.s32 $0xFFFFFF80  }
0x7f: {  	_ =	swait.ge [sflag:s7], $0x80  }
0x80: {  	[sflag:s7] =	ssyncset.done $0x0  }
0x81: {  	[sflag:s7] =	ssyncadd.s32 $0xFFFFFF80  }
0x82: {  	s10 =	simm.s32 $0x80;
	_ =	swait.ge [sflag:s8], $0x80  }
0x83: {  	s4 =	simm.s32 $0x100;
	s11 =	rddreg [dreg:$0x4];
	[sflag:s8] =	ssyncset.done $0x0  }
.LBB2_2:
0x84: {  	[sflag:s8] =	ssyncadd.s32 $0xFFFFFF80;
	s9 =	smov.u32 s4;
	s11 =	sadd.s32 s10, s11  }
0x85: {  	[tilespmem:s3], [sflag:$0x1] =	stream.linear.gather [hbm4b:s11+s3], $0x80, $0x38;
	[tilespmem:$0x780] =	vst v63  }
0x86: {  	s10 =	smov.u32 s9;
	s9 =	sadd.s32 $0x10, s11  }
0x87: {  	[tilespmem:s13], [sflag:$0x2] =	stream.linear.gather [hbm4b:s9+s3], $0x80, $0x38;
	[tilespmem:$0x780] =	vst v63  }
0x88: {  	s9 =	sadd.s32 $0x20, s11  }
0x89: {  	[tilespmem:s14], [sflag:$0x3] =	stream.linear.gather [hbm4b:s9+s3], $0x80, $0x38;
	[tilespmem:$0x780] =	vst v63  }
0x8a: {  	s9 =	sadd.s32 $0x30, s11  }
0x8b: {  	[tilespmem:s15], [sflag:$0x4] =	stream.linear.gather [hbm4b:s9+s3], $0x80, $0x38;
	[tilespmem:$0x780] =	vst v63  }
0x8c: {  	s9 =	sadd.s32 $0x40, s11  }
0x8d: {  	[tilespmem:s16], [sflag:$0x5] =	stream.linear.gather [hbm4b:s9+s3], $0x80, $0x38;
	[tilespmem:$0x780] =	vst v63  }
0x8e: {  	s9 =	sadd.s32 $0x50, s11  }
0x8f: {  	[tilespmem:s17], [sflag:$0x6] =	stream.linear.gather [hbm4b:s9+s3], $0x80, $0x38;
	[tilespmem:$0x780] =	vst v63  }
0x90: {  	s9 =	sadd.s32 $0x60, s11  }
0x91: {  	[tilespmem:s18], [sflag:$0x7] =	stream.linear.gather [hbm4b:s9+s3], $0x80, $0x38;
	[tilespmem:$0x780] =	vst v63  }
0x92: {  	s11 =	sadd.s32 $0x70, s11  }
0x93: {  	[tilespmem:s19], [sflag:$0x8] =	stream.linear.gather [hbm4b:s11+s3], $0x80, $0x38;
	[tilespmem:$0x780] =	vst v63  }
0x94: {  	_ =	swait.ge [sflag:s20], $0x80  }
0x95: {  	[sflag:s20] =	ssyncset.done $0x0  }
0x96: {  	[sflag:s20] =	ssyncadd.s32 $0xFFFFFF80  }
0x97: {  	[spmem:s2] =	stream.indirect.scatter.add.f32 [tilespmem:s21], [sflag:$0x9], $0x1, s3, s13, $0xb8;
	[tilespmem:$0x780] =	vst v63  }
0x98: {  	_ =	swait.ge [sflag:s22], $0x80  }
0x99: {  	[sflag:s22] =	ssyncset.done $0x0  }
0x9a: {  	[sflag:s22] =	ssyncadd.s32 $0xFFFFFF80  }
0x9b: {  	[spmem:s2] =	stream.indirect.scatter.add.f32 [tilespmem:s21], [sflag:$0xA], $0x1, s13, s13, $0xb8;
	[tilespmem:$0x780] =	vst v63  }
0x9c: {  	_ =	swait.ge [sflag:s23], $0x80  }
0x9d: {  	[sflag:s23] =	ssyncset.done $0x0  }
0x9e: {  	[sflag:s23] =	ssyncadd.s32 $0xFFFFFF80  }
0x9f: {  	[spmem:s2] =	stream.indirect.scatter.add.f32 [tilespmem:s21], [sflag:$0xB], $0x1, s14, s13, $0xb8;
	[tilespmem:$0x780] =	vst v63  }
0xa0: {  	_ =	swait.ge [sflag:s24], $0x80  }
0xa1: {  	[sflag:s24] =	ssyncset.done $0x0  }
0xa2: {  	[sflag:s24] =	ssyncadd.s32 $0xFFFFFF80  }
0xa3: {  	[spmem:s2] =	stream.indirect.scatter.add.f32 [tilespmem:s21], [sflag:$0xC], $0x1, s15, s13, $0xb8;
	[tilespmem:$0x780] =	vst v63  }
0xa4: {  	_ =	swait.ge [sflag:s25], $0x80  }
0xa5: {  	[sflag:s25] =	ssyncset.done $0x0  }
0xa6: {  	[sflag:s25] =	ssyncadd.s32 $0xFFFFFF80  }
0xa7: {  	[spmem:s2] =	stream.indirect.scatter.add.f32 [tilespmem:s21], [sflag:$0xD], $0x1, s16, s13, $0xb8;
	[tilespmem:$0x780] =	vst v63  }
0xa8: {  	_ =	swait.ge [sflag:s26], $0x80  }
0xa9: {  	[sflag:s26] =	ssyncset.done $0x0  }
0xaa: {  	[sflag:s26] =	ssyncadd.s32 $0xFFFFFF80  }
0xab: {  	[spmem:s2] =	stream.indirect.scatter.add.f32 [tilespmem:s21], [sflag:$0xE], $0x1, s17, s13, $0xb8;
	[tilespmem:$0x780] =	vst v63  }
0xac: {  	_ =	swait.ge [sflag:s28], $0x80  }
0xad: {  	[sflag:s28] =	ssyncset.done $0x0  }
0xae: {  	[sflag:s28] =	ssyncadd.s32 $0xFFFFFF80  }
0xaf: {  	[spmem:s2] =	stream.indirect.scatter.add.f32 [tilespmem:s21], [sflag:$0xF], $0x1, s18, s13, $0xb8;
	[tilespmem:$0x780] =	vst v63  }
0xb0: {  	_ =	swait.ge [sflag:s29], $0x80  }
0xb1: {  	[sflag:s29] =	ssyncset.done $0x0  }
0xb2: {  	[sflag:s29] =	ssyncadd.s32 $0xFFFFFF80  }
0xb3: {  	[spmem:s2] =	stream.indirect.scatter.add.f32 [tilespmem:s21], [sflag:$0x10], $0x1, s19, s13, $0xb8;
	[tilespmem:$0x780] =	vst v63  }
0xb4: {  	_ =	swait.ge [sflag:s30], $0x80  }
0xb5: {  	[sflag:s30] =	ssyncset.done $0x0  }
0xb6: {  	[sflag:s30] =	ssyncadd.s32 $0xFFFFFF80  }
0xb7: {  	_ =	swait.ge [sflag:s31], $0x80  }
0xb8: {  	[sflag:s31] =	ssyncset.done $0x0  }
0xb9: {  	[sflag:s31] =	ssyncadd.s32 $0xFFFFFF80  }
0xba: {  	_ =	swait.ge [sflag:s1], $0x80  }
0xbb: {  	[sflag:s1] =	ssyncset.done $0x0  }
0xbc: {  	[sflag:s1] =	ssyncadd.s32 $0xFFFFFF80  }
0xbd: {  	_ =	swait.ge [sflag:s0], $0x80  }
0xbe: {  	[sflag:s0] =	ssyncset.done $0x0  }
0xbf: {  	[sflag:s0] =	ssyncadd.s32 $0xFFFFFF80  }
0xc0: {  	_ =	swait.ge [sflag:s5], $0x80  }
0xc1: {  	[sflag:s5] =	ssyncset.done $0x0  }
0xc2: {  	[sflag:s5] =	ssyncadd.s32 $0xFFFFFF80  }
0xc3: {  	_ =	swait.ge [sflag:s6], $0x80  }
0xc4: {  	[sflag:s6] =	ssyncset.done $0x0  }
0xc5: {  	p0 =	sne.s32 s4, $0x480;
	[sflag:s6] =	ssyncadd.s32 $0xFFFFFF80  }
.Ltmp0:
0xc6: {  	_ =	swait.ge [sflag:s7], $0x80;
	(pc) =	sbr.rel @p0 .LBB2_2-.Ltmp0, $4  }
0xc7: {  	[sflag:s7] =	ssyncset.done $0x0  }
0xc8: {  	[sflag:s7] =	ssyncadd.s32 $0xFFFFFF80  }
0xc9: {  	_ =	swait.ge [sflag:s8], $0x80  }
0xca: {  	s4 =	sadd.s32 $0x80, s4;
	s11 =	rddreg [dreg:$0x4];
	[sflag:s8] =	ssyncset.done $0x0  }
0xcb: {  	[sflag:s8] =	ssyncadd.s32 $0xFFFFFF80;
	s4 =	sadd.s32 s10, s11  }
0xcc: {  	[tilespmem:s3], [sflag:$0x1] =	stream.linear.gather [hbm4b:s4+s3], $0x80, $0x38;
	[tilespmem:$0x780] =	vst v63  }
0xcd: {  	s9 =	sadd.s32 $0x10, s4  }
0xce: {  	[tilespmem:s13], [sflag:$0x2] =	stream.linear.gather [hbm4b:s9+s3], $0x80, $0x38;
	[tilespmem:$0x780] =	vst v63  }
0xcf: {  	s10 =	sadd.s32 $0x20, s4  }
0xd0: {  	[tilespmem:s14], [sflag:$0x3] =	stream.linear.gather [hbm4b:s10+s3], $0x80, $0x38;
	[tilespmem:$0x780] =	vst v63  }
0xd1: {  	s11 =	sadd.s32 $0x30, s4  }
0xd2: {  	[tilespmem:s15], [sflag:$0x4] =	stream.linear.gather [hbm4b:s11+s3], $0x80, $0x38;
	[tilespmem:$0x780] =	vst v63  }
0xd3: {  	s10 =	sadd.s32 $0x40, s4  }
0xd4: {  	[tilespmem:s16], [sflag:$0x5] =	stream.linear.gather [hbm4b:s10+s3], $0x80, $0x38;
	[tilespmem:$0x780] =	vst v63  }
0xd5: {  	s11 =	sadd.s32 $0x50, s4  }
0xd6: {  	[tilespmem:s17], [sflag:$0x6] =	stream.linear.gather [hbm4b:s11+s3], $0x80, $0x38;
	[tilespmem:$0x780] =	vst v63  }
0xd7: {  	s10 =	sadd.s32 $0x60, s4  }
0xd8: {  	[tilespmem:s18], [sflag:$0x7] =	stream.linear.gather [hbm4b:s10+s3], $0x80, $0x38;
	[tilespmem:$0x780] =	vst v63  }
0xd9: {  	s4 =	sadd.s32 $0x70, s4  }
0xda: {  	[tilespmem:s19], [sflag:$0x8] =	stream.linear.gather [hbm4b:s4+s3], $0x80, $0x38;
	[tilespmem:$0x780] =	vst v63  }
0xdb: {  	_ =	swait.ge [sflag:s20], $0x80  }
0xdc: {  	[sflag:s20] =	ssyncset.done $0x0  }
0xdd: {  	[sflag:s20] =	ssyncadd.s32 $0xFFFFFF80  }
0xde: {  	[spmem:s2] =	stream.indirect.scatter.add.f32 [tilespmem:s21], [sflag:$0x9], $0x1, s3, s13, $0xb8;
	[tilespmem:$0x780] =	vst v63  }
0xdf: {  	_ =	swait.ge [sflag:s22], $0x80  }
0xe0: {  	[sflag:s22] =	ssyncset.done $0x0  }
0xe1: {  	[sflag:s22] =	ssyncadd.s32 $0xFFFFFF80  }
0xe2: {  	[spmem:s2] =	stream.indirect.scatter.add.f32 [tilespmem:s21], [sflag:$0xA], $0x1, s13, s13, $0xb8;
	[tilespmem:$0x780] =	vst v63  }
0xe3: {  	_ =	swait.ge [sflag:s23], $0x80  }
0xe4: {  	[sflag:s23] =	ssyncset.done $0x0  }
0xe5: {  	[sflag:s23] =	ssyncadd.s32 $0xFFFFFF80  }
0xe6: {  	[spmem:s2] =	stream.indirect.scatter.add.f32 [tilespmem:s21], [sflag:$0xB], $0x1, s14, s13, $0xb8;
	[tilespmem:$0x780] =	vst v63  }
0xe7: {  	_ =	swait.ge [sflag:s24], $0x80  }
0xe8: {  	[sflag:s24] =	ssyncset.done $0x0  }
0xe9: {  	[sflag:s24] =	ssyncadd.s32 $0xFFFFFF80  }
0xea: {  	[spmem:s2] =	stream.indirect.scatter.add.f32 [tilespmem:s21], [sflag:$0xC], $0x1, s15, s13, $0xb8;
	[tilespmem:$0x780] =	vst v63  }
0xeb: {  	_ =	swait.ge [sflag:s25], $0x80  }
0xec: {  	[sflag:s25] =	ssyncset.done $0x0  }
0xed: {  	[sflag:s25] =	ssyncadd.s32 $0xFFFFFF80  }
0xee: {  	[spmem:s2] =	stream.indirect.scatter.add.f32 [tilespmem:s21], [sflag:$0xD], $0x1, s16, s13, $0xb8;
	[tilespmem:$0x780] =	vst v63  }
0xef: {  	_ =	swait.ge [sflag:s26], $0x80  }
0xf0: {  	[sflag:s26] =	ssyncset.done $0x0  }
0xf1: {  	[sflag:s26] =	ssyncadd.s32 $0xFFFFFF80  }
0xf2: {  	[spmem:s2] =	stream.indirect.scatter.add.f32 [tilespmem:s21], [sflag:$0xE], $0x1, s17, s13, $0xb8;
	[tilespmem:$0x780] =	vst v63  }
0xf3: {  	_ =	swait.ge [sflag:s28], $0x80  }
0xf4: {  	[sflag:s28] =	ssyncset.done $0x0  }
0xf5: {  	[sflag:s28] =	ssyncadd.s32 $0xFFFFFF80  }
0xf6: {  	[spmem:s2] =	stream.indirect.scatter.add.f32 [tilespmem:s21], [sflag:$0xF], $0x1, s18, s13, $0xb8;
	[tilespmem:$0x780] =	vst v63  }
0xf7: {  	_ =	swait.ge [sflag:s29], $0x80  }
0xf8: {  	[sflag:s29] =	ssyncset.done $0x0  }
0xf9: {  	[sflag:s29] =	ssyncadd.s32 $0xFFFFFF80  }
0xfa: {  	[spmem:s2] =	stream.indirect.scatter.add.f32 [tilespmem:s21], [sflag:$0x10], $0x1, s19, s13, $0xb8;
	[tilespmem:$0x780] =	vst v63  }
0xfb: {  	_ =	swait.ge [sflag:s30], $0x80  }
0xfc: {  	[sflag:s30] =	ssyncset.done $0x0  }
0xfd: {  	[sflag:s30] =	ssyncadd.s32 $0xFFFFFF80  }
0xfe: {  	_ =	swait.ge [sflag:s31], $0x80  }
0xff: {  	[sflag:s31] =	ssyncset.done $0x0  }
0x100: {  	[sflag:s31] =	ssyncadd.s32 $0xFFFFFF80  }
0x101: {  	_ =	swait.ge [sflag:s1], $0x80  }
0x102: {  	[sflag:s1] =	ssyncset.done $0x0  }
0x103: {  	[sflag:s1] =	ssyncadd.s32 $0xFFFFFF80  }
0x104: {  	_ =	swait.ge [sflag:s0], $0x80  }
0x105: {  	[sflag:s0] =	ssyncset.done $0x0  }
0x106: {  	[sflag:s0] =	ssyncadd.s32 $0xFFFFFF80  }
0x107: {  	_ =	swait.ge [sflag:s5], $0x80  }
0x108: {  	[sflag:s5] =	ssyncset.done $0x0  }
0x109: {  	[sflag:s5] =	ssyncadd.s32 $0xFFFFFF80  }
0x10a: {  	_ =	swait.ge [sflag:s6], $0x80  }
0x10b: {  	[sflag:s6] =	ssyncset.done $0x0  }
0x10c: {  	[sflag:s6] =	ssyncadd.s32 $0xFFFFFF80  }
0x10d: {  	_ =	swait.ge [sflag:s7], $0x80  }
0x10e: {  	[sflag:s7] =	ssyncset.done $0x0  }
0x10f: {  	[sflag:s7] =	ssyncadd.s32 $0xFFFFFF80  }
0x110: {  	_ =	swait.ge [sflag:s8], $0x80  }
0x111: {  	[sflag:s8] =	ssyncset.done $0x0  }
0x112: {  	[sflag:s8] =	ssyncadd.s32 $0xFFFFFF80  }
0x113: {  	s11 =	stileid.u32;
	[bflag:$0x0] =	sbarrier.arrive $0xFFFF  }
0x114: {  	s4 =	sshll.u32 s11, $0x6;
	s10 =	rddreg [dreg:$0x5]  }
0x115: {  	s4 =	sor.u32 $0x1C11, s4;
	s11 =	rddreg [dreg:$0xa];
	s9 =	sshrl.u32 s10, $0x3  }
0x116: {  	[hbm:s11], [sflag:s4] =	dma.local [spmem:s9], $0x50  }
0x117: {  	_ =	swait.ge [sflag:s12], $0x50  }
0x118: {  	s4 =	rddreg [dreg:$0xc]  }
0x119: {  	s11 =	rddreg [dreg:$0xb];
	s9 =	sadd.s32 $0x1, s4  }
0x11a: {  	p0 =	sne.s32 s9, s11  }
.Ltmp1:
0x11b: {  	_ = 	snop;
	(pc) =	sbr.rel @p0 .LBB2_1-.Ltmp1, $3  }
0x11c: {  	_ =	sdelay $0x1  }
0x11d: {  	[sflag:s12] =	ssyncset.done $0x0  }
0x11e: {  	[sflag:s12] =	ssyncadd.s32 $0xFFFFFFB0  }
0x11f: {  	_ =	sfence.sel $0x180000  }
0x120: {  	[bflag:$0x0] =	sbarrier.arrive $0xFFFF  }
0x121: {  	_ =	strace $0x90000047  }
0x122: {  	s0 =	stileid.u32;
	[bflag:$0x2] =	sbarrier.arrive $0xFFFF  }
0x123: {  	p0 =	sne.s32 s0, $0x0;
	s0 =	rddreg [dreg:$0x3]  }
0x124: {  	s0 =	sadd.s32 @!p0 $0x100000, s0  }
0x125: {  	[sflag:s0] =	ssyncadd.tile.s32 @!p0 $0x1;
	_ =	shalt  }
.Lfunc_end2:
_tile_overlayer_lowered:
.L_overlay_start_2:
0x126: {  	(tag) =	ssettag $0x2  }
0x127: {  	s0 =	rddreg [dreg:$0x0];
	s2 =	stileid.u32  }
0x128: {  	s1 =	rddreg [dreg:$0x1];
	p0 =	sne.s32 s2, $0x0  }
0x129: {  	s3 =	rddreg [dreg:$0x2];
	[bflag:$0x3] =	sbarrier.arrive $0xFFFF;
	s2 =	simm.s32 @!p0 $0x1C11  }
0x12a: {  	[timem:s3], [sflag:s2] =	dma.local @!p0 [hbm:s0], s1  }
0x12b: {  	s0 =	simm.s32 @!p0 $0x11  }
0x12c: {  	_ =	swait.ge @!p0 [sflag:s0], s1  }
0x12d: {  	s1 =	ssub.s32 @!p0 $0x0, s1;
	[sflag:s0] =	ssyncset.done @!p0 $0x0  }
0x12e: {  	[sflag:s0] =	ssyncadd.s32 @!p0 s1  }
0x12f: {  	[bflag:$0x3] =	sbarrier.arrive $0xFFFF  }
0x130: {  	_ =	shalt  }

// kernel: kernel.9.cloned.1.call-start
scs
__scs_entry_jumppad:
0x0: {  	(pc) =	sbr.rel $0x88, $3  }
0x1: {  	(tag) =	ssettag $0x0;
	lr =	simm.s32 $0x1  }
0x2: {  	[smem:$0x3F95] =	sst lr;
	_ =	strace $0xD0000000  }
0x3: {  	_ = 	snop  }
0x4: {  	_ = 	snop  }
0x5: {  	_ = 	snop  }
0x6: {  	_ = 	snop  }
0x7: {  	_ = 	snop  }
__scs_overlays_trampoline_lowered:
0x8: {  	[smem:$0x3FA4] =	sst s0  }
0x9: {  	[smem:$0x3FA5] =	sst s1  }
0xa: {  	[smem:$0x3FA6] =	sst s2  }
0xb: {  	[smem:$0x3FA7] =	sst s3  }
0xc: {  	[smem:$0x3FA8] =	sst s4  }
0xd: {  	[smem:$0x3FA9] =	sst s5  }
0xe: {  	[smem:$0x3FAA] =	sst s6  }
0xf: {  	[smem:$0x3FAB] =	sst s7  }
0x10: {  	[smem:$0x3FAC] =	sst s8  }
0x11: {  	[smem:$0x3FAD] =	sst s9;
	s0 =	simm.s32 @!p0 $0x0  }
0x12: {  	s1 =	sld [smem:$0x3F93];
	s0 =	simm.s32 @p0 $0x1  }
0x13: {  	[smem:$0x3FAE] =	sst s0;
	s0 =	simm.s32 @!p1 $0x0  }
0x14: {  	s2 =	sld [smem:$0x3F92];
	s0 =	simm.s32 @p1 $0x1  }
0x15: {  	[smem:$0x3FAF] =	sst s0;
	s0 =	simm.s32 @!p2 $0x0  }
0x16: {  	s3 =	sld [smem:$0x3FDB];
	s0 =	simm.s32 @p2 $0x1  }
0x17: {  	s4 =	simm.s32 $0x1BF5;
	[smem:$0x3FB1] =	sst s0  }
0x18: {  	s0 =	sld [smem:$0x3F94];
	_ =	swait.ge [sflag:s4], $0x0  }
0x19: {  	s7 =	sld [smem:$0x3F95]  }
0x1a: {  	s8 =	sadd.s32 $0xFFFFE003, lr  }
0x1b: {  	s9 =	sadd.s32 $0xFFFFFEF7, lr;
	s5 =	simm.s32 $0xFFFFFFFF;
	p2 =	slt.u32 s8, $0xFFFFF086  }
0x1c: {  	p1 =	slt.u32 s9, $0xF7A;
	s5 =	simm.s32 @!p2 $0x0  }
0x1d: {  	s5 =	simm.s32 @p1 $0x1;
	p0 =	seq.s32 s7, s2  }
0x1e: {  	s7 =	smul.u32 @!p0 $0xF7A, s2;
	p2 =	seq.s32 @!p0 s5, $0x0  }
0x1f: {  	s9 =	smul.u32 $0xF7A, s1;
	s8 =	simm.s32 @!p0 $0x1BF5;
	p2 =	por !p2, p0  }
0x20: {  	[sflag:s8] =	ssyncset.s32 @!p0 $0xFFFFF086;
	s6 =	sadd.s32 @!p0 s3, s7;
	s7 =	simm.s32 @!p0 $0x108  }
0x21: {  	s3 =	sadd.s32 s3, s9;
	s6 =	sadd.s32 @!p0 $0x88, s6;
	s7 =	simm.s32 @p2 $0x1082  }
0x22: {  	[simem:s7], [sflag:s8] =	dma.local @!p0 [hbm:s6], $0xF7A  }
0x23: {  	s9 =	sor.u32 $0xD0000000, s2;
	s6 =	simm.s32 $0x108;
	_ =	swait.ge @!p0 [sflag:s8], $0x0  }
0x24: {  	s3 =	sadd.s32 $0x88, s3;
	s6 =	simm.s32 @!p1 $0x1082;
	[sflag:s4] =	ssyncset.s32 $0xFFFFF086  }
0x25: {  	[simem:s6], [sflag:s4] =	dma.local [hbm:s3], $0xF7A  }
0x26: {  	[smem:$0x3F95] =	sst s1;
	(tag) =	ssettag s2;
	_ =	strace s9  }
0x27: {  	s1 =	sld [smem:$0x3FA5]  }
0x28: {  	s2 =	sld [smem:$0x3FA6]  }
0x29: {  	s4 =	sld [smem:$0x3FA8]  }
0x2a: {  	p0 =	seq.s32 s5, $0x0;
	s5 =	sld [smem:$0x3FA9]  }
0x2b: {  	s6 =	sld [smem:$0x3FAA]  }
0x2c: {  	s7 =	sld [smem:$0x3FAB]  }
0x2d: {  	s3 =	simm.s32 $0x108;
	s8 =	sld [smem:$0x3FAC]  }
0x2e: {  	s3 =	simm.s32 @!p0 $0x1082;
	s9 =	sld [smem:$0x3FAD]  }
0x2f: {  	lr =	sadd.s32 s0, s3;
	s0 =	sld [smem:$0x3FA4]  }
0x30: {  	s3 =	sld [smem:$0x3FA7]  }
0x31: {  	[smem:$0x3FB0] =	sst s10  }
0x32: {  	s10 =	sld [smem:$0x3FAE];
	_ =	sdelay $0x3  }
0x33: {  	p0 =	seq.s32 s10, $0x1;
	s10 =	sld [smem:$0x3FB0];
	_ =	sdelay $0x3  }
0x34: {  	[smem:$0x3FB0] =	sst s10  }
0x35: {  	s10 =	sld [smem:$0x3FAF];
	_ =	sdelay $0x3  }
0x36: {  	p1 =	seq.s32 s10, $0x1;
	s10 =	sld [smem:$0x3FB0];
	_ =	sdelay $0x3  }
0x37: {  	[smem:$0x3FB0] =	sst s10  }
0x38: {  	s10 =	sld [smem:$0x3FB1]  }
0x39: {  	_ = 	snop;
	(pc) =	sbr.ind lr, $3  }
0x3a: {  	_ = 	snop  }
0x3b: {  	_ = 	snop  }
0x3c: {  	p2 =	seq.s32 s10, $0x1;
	s10 =	sld [smem:$0x3FB0]  }
0x3d: {  	_ =	shalt  }
0x3e: {  	_ =	shalt  }
0x3f: {  	_ =	shalt  }
0x40: {  	_ =	shalt  }
0x41: {  	_ =	shalt  }
0x42: {  	_ =	shalt  }
0x43: {  	_ =	shalt  }
0x44: {  	_ =	shalt  }
0x45: {  	_ =	shalt  }
0x46: {  	_ =	shalt  }
0x47: {  	_ =	shalt  }
0x48: {  	_ =	shalt  }
0x49: {  	_ =	shalt  }
0x4a: {  	_ =	shalt  }
0x4b: {  	_ =	shalt  }
0x4c: {  	_ =	shalt  }
0x4d: {  	_ =	shalt  }
0x4e: {  	_ =	shalt  }
0x4f: {  	_ =	shalt  }
0x50: {  	_ =	shalt  }
0x51: {  	_ =	shalt  }
0x52: {  	_ =	shalt  }
0x53: {  	_ =	shalt  }
0x54: {  	_ =	shalt  }
0x55: {  	_ =	shalt  }
0x56: {  	_ =	shalt  }
0x57: {  	_ =	shalt  }
0x58: {  	_ =	shalt  }
0x59: {  	_ =	shalt  }
0x5a: {  	_ =	shalt  }
0x5b: {  	_ =	shalt  }
0x5c: {  	_ =	shalt  }
0x5d: {  	_ =	shalt  }
0x5e: {  	_ =	shalt  }
0x5f: {  	_ =	shalt  }
0x60: {  	_ =	shalt  }
0x61: {  	_ =	shalt  }
0x62: {  	_ =	shalt  }
0x63: {  	_ =	shalt  }
0x64: {  	_ =	shalt  }
0x65: {  	_ =	shalt  }
0x66: {  	_ =	shalt  }
0x67: {  	_ =	shalt  }
0x68: {  	_ =	shalt  }
0x69: {  	_ =	shalt  }
0x6a: {  	_ =	shalt  }
0x6b: {  	_ =	shalt  }
0x6c: {  	_ =	shalt  }
0x6d: {  	_ =	shalt  }
0x6e: {  	_ =	shalt  }
0x6f: {  	_ =	shalt  }
0x70: {  	_ =	shalt  }
0x71: {  	_ =	shalt  }
0x72: {  	_ =	shalt  }
0x73: {  	_ =	shalt  }
0x74: {  	_ =	shalt  }
0x75: {  	_ =	shalt  }
0x76: {  	_ =	shalt  }
0x77: {  	_ =	shalt  }
0x78: {  	_ =	shalt  }
0x79: {  	_ =	shalt  }
0x7a: {  	_ =	shalt  }
0x7b: {  	_ =	shalt  }
0x7c: {  	_ =	shalt  }
0x7d: {  	_ =	shalt  }
0x7e: {  	_ =	shalt  }
0x7f: {  	_ =	shalt  }
0x80: {  	_ =	shalt  }
0x81: {  	_ =	shalt  }
0x82: {  	_ =	shalt  }
0x83: {  	_ =	shalt  }
0x84: {  	_ =	shalt  }
0x85: {  	_ =	shalt  }
0x86: {  	_ =	shalt  }
0x87: {  	_ =	shalt  }
.Lfunc_end0:
.L_simem_size_0:
called_computation.1_lowered:
.L_overlay_start_0:
0x88: {  	s2 =	sld [smem:$0x3FD9]  }
0x89: {  	s3 =	sld [smem:$0x3FFE];
	_ =	sdelay $0x1  }
0x8a: {  	s1 =	srdreg.scid  }
0x8b: {  	s0 =	sand.u32 $0x1, s1  }
0x8c: {  	s17 =	sshll.u32 s0, $0xA;
	s2 =	sadd.s32 s3, s2  }
0x8d: {  	s2 =	sadd.s32 s2, s17  }
0x8e: {  	[smem:$0x3FBC] =	sst s2  }
0x8f: {  	_ = 	snop  }
0x90: {  	s2 =	sld [smem:$0x3FD0];
	(tm) =	ssettm $0x1  }
0x91: {  	s18 =	sld [smem:$0x3FFB];
	_ =	sdelay $0x3  }
0x92: {  	_ =	strace s18  }
0x93: {  	s3 =	sld [smem:$0x3FFC];
	_ =	sdelay $0x3  }
0x94: {  	_ =	strace s3  }
0x95: {  	s3 =	sld [smem:$0x3FFD];
	_ =	sdelay $0x3  }
0x96: {  	_ =	strace s3  }
0x97: {  	_ =	strace $0x8FFFFFFF  }
0x98: {  	s19 =	sld [smem:$0x3FDB];
	_ =	sdelay $0x1  }
0x99: {  	s4 =	simm.s32 $_scs_section_size  }
0x9a: {  	s5 =	simm.s32 $_size__tile_overlayer_lowered;
	s6 =	simm.s32 $_tile_overlayer_lowered  }
0x9b: {  	s22 =	simm.s32 $0x1BFF;
	s21 =	sshll.u32 s6, $0x1;
	s3 =	sadd.s32 s4, s19  }
0x9c: {  	s7 =	simm.s32 $0x0;
	s20 =	sshll.u32 s5, $0x1;
	s5 =	sadd.s32 s21, s3  }
0x9d: {  	[timem:s7], [sflag:s22] =	dma.local [hbm:s5], s20  }
0x9e: {  	_ =	swait.ge [sflag:s22], s20  }
0x9f: {  	s4 =	ssub.s32 $0x0, s20;
	[sflag:s22] =	ssyncset.done $0x0  }
0xa0: {  	[sflag:s22] =	ssyncadd.s32 s4;
	_ =	sdelay $0x1  }
0xa1: {  	s23 =	simm.s32 $0x1B8B  }
0xa2: {  	_ =	swait.ge [sflag:s23], $0x1  }
0xa3: {  	[sflag:s23] =	ssyncset.done $0x0  }
0xa4: {  	s25 =	simm.s32 $0x1B8E;
	s24 =	sld [smem:$0x3FFE];
	[sflag:s23] =	ssyncadd.s32 $0xFFFFFFFF  }
0xa5: {  	s26 =	simm.s32 $execute0_lowered;
	[smem:$0x3FD2] =	sst s25  }
0xa6: {  	s5 =	sshll.u32 s26, $0x1;
	_ =	strace $0x80000049;
	[dreg:$0x1] =	wrdreg $0xFFFFFFFF  }
0xa7: {  	s28 =	simm.s32 $_size_execute0_lowered;
	s3 =	sadd.s32 s3, s5;
	[dreg:$0x0] =	wrdreg $0x0  }
0xa8: {  	s5 =	sshll.u32 s28, $0x1;
	[dreg:$0x2] =	wrdreg s3  }
0xa9: {  	[dreg:$0x3] =	wrdreg s5  }
0xaa: {  	[dreg:$0x4] =	wrdreg $0xC0  }
0xab: {  	_ =	task [dreg:s7], $0x5FFFF  }
0xac: {  	[dreg:$0x1] =	wrdreg $0xFFFFFFFF  }
0xad: {  	[dreg:$0x0] =	wrdreg $0x60  }
0xae: {  	[dreg:$0x2] =	wrdreg s2  }
0xaf: {  	[dreg:$0x3] =	wrdreg s24  }
0xb0: {  	[dreg:$0x4] =	wrdreg $0x82000  }
0xb1: {  	[dreg:$0x5] =	wrdreg $0x9  }
0xb2: {  	_ =	task.clear_ibuf [dreg:s7], $0x6FFFF;
	_ =	strace $0x90000049  }
0xb3: {  	s29 =	simm.s32 $0x9;
	_ =	strace $0x8000004B  }
0xb4: {  	_ =	swait.ge [sflag:s29], $0x1  }
0xb5: {  	[sflag:s29] =	ssyncadd.s32 $0xFFFFFFFF  }
0xb6: {  	_ =	strace $0x9000004B  }
0xb7: {  	_ =	sfence  }
0xb8: {  	s30 =	sld [smem:$0x0];
	_ =	sdelay $0x2  }
0xb9: {  	s31 =	sshll.u32 s1, $0xD;
	s1 =	sshrl.u32 s1, $0x2  }
0xba: {  	s3 =	sand.u32 $0x4000, s31;
	s1 =	sadd.s32 s1, s30  }
0xbb: {  	s0 =	sor.u32 s3, s0;
	s1 =	sshll.u32 s1, $0x11  }
0xbc: {  	s0 =	sor.u32 s1, s0  }
0xbd: {  	s0 =	sadd.s32 $0x8F2B, s0  }
0xbe: {  	[sflag:s0] =	ssyncadd.remote.s32 $0x1  }
0xbf: {  	_ =	sfence.sel $0xFFFF  }
0xc0: {  	[dreg:$0x0] =	wrdreg $0xFFFFFFFF;
	(pc) =	sbr.abs _section_cstart, $3  }
0xc1: {  	[dreg:$0x1] =	wrdreg $0xFFFFFFFF  }
0xc2: {  	_ =	task.clear_ibuf [dreg:s7], $0x2FFFF;
	_ =	strace $0x9FFFFFFF  }
0xc3: {  	(tm) =	ssettm $0x7FFFFFFF  }
tec
execute0_lowered:
.L_overlay_start_1:
0x0: {  	(tag) =	ssettag $0x1  }
0x1: {  	s1 =	rddreg [dreg:$0x0]  }
0x2: {  	s0 =	rddreg [dreg:$0x1]  }
0x3: {  	s3 =	rddreg [dreg:$0x2];
	s2 =	srdreg.scid  }
0x4: {  	s11 =	stileid.u32;
	s4 =	simm.s32 $0x0;
	s28 =	simm.s32 $0x0  }
0x5: {  	s2 =	sand.u32 $0x1, s2;
	s5 =	smul.u32 $0x280, s11;
	[smem:$0x7FF] =	sst s4  }
0x6: {  	s7 =	sadd.s32 $0xC800, s0;
	s8 =	smul.u32 $0x50000, s11;
	s9 =	sadd.s32 $0x2800, s0  }
0x7: {  	s6 =	smul.u32 $0x2800, s2;
	_ =	strace $0x8000004A;
	s17 =	ssub.s32 $0x2, s2  }
0x8: {  	p0 =	seq.s32 s2, $0x1;
	s10 =	sshrl.u32 s17, $0x1;
	s18 =	sshrl.u32 s8, $0x2  }
0x9: {  	s5 =	sadd.s32 s5, s6;
	s10 =	ssub.s32 s17, s10;
	s6 =	sshll.u32 s11, $0x6  }
0xa: {  	s11 =	smul.u32 $0x9C0, s11;
	s5 =	sshll.u32 s5, $0x4;
	s19 =	sor.u32 $0x9C00, s6  }
0xb: {  	s22 =	sor.u32 $0x9C10, s6;
	s25 =	sor.u32 $0x9C20, s6;
	s26 =	sor.u32 $0x9C30, s6  }
0xc: {  	s10 =	smax.u32 s10, $0x1;
	s0 =	sadd.s32 s5, s0;
	s5 =	sadd.s32 s18, s3  }
0xd: {  	s21 =	sadd.s32 s7, s19;
	s2 =	sadd.s32 s9, s19;
	[dreg:$0x10] =	wrdreg s10  }
0xe: {  	s23 =	sadd.s32 s7, s22;
	s24 =	sadd.s32 s9, s22;
	[dreg:$0x6] =	wrdreg s21  }
0xf: {  	s12 =	sadd.s32 s7, s25;
	s29 =	sadd.s32 s7, s26;
	[dreg:$0x7] =	wrdreg s2  }
0x10: {  	s30 =	sadd.s32 s9, s26;
	s22 =	sadd.s32 s11, s9;
	[dreg:$0x8] =	wrdreg s23  }
0x11: {  	s10 =	simm.s32 $0x7;
	s31 =	sadd.s32 $0x64C00, s0;
	[dreg:$0x9] =	wrdreg s24  }
0x12: {  	s13 =	sadd.s32 $0x65100, s0;
	s14 =	sadd.s32 $0x65600, s0;
	[dreg:$0xa] =	wrdreg s12  }
0x13: {  	s15 =	sadd.s32 $0x65B00, s0;
	s16 =	sadd.s32 $0x66000, s0;
	[dreg:$0xc] =	wrdreg s29  }
0x14: {  	s20 =	sadd.s32 $0x66500, s0;
	s2 =	sadd.s32 s9, s25;
	[dreg:$0xd] =	wrdreg s30  }
0x15: {  	s21 =	sadd.s32 s11, s7;
	s8 =	sadd.s32 $0x66A00, s0;
	s0 =	sadd.s32 $0x66F00, s0  }
0x16: {  	s9 =	sadd.s32 $0x2800, s5;
	s11 =	sadd.s32 $0x5000, s5;
	[dreg:$0x5] =	wrdreg s20  }
0x17: {  	s12 =	sadd.s32 $0x7800, s5;
	s17 =	sadd.s32 $0xA000, s5;
	[dreg:$0xb] =	wrdreg s2  }
0x18: {  	s19 =	sadd.s32 $0xC800, s5;
	s23 =	sadd.s32 $0x11800, s5;
	[dreg:$0xe] =	wrdreg s8  }
0x19: {  	s25 =	sadd.s32 $0x4000, s5;
	s26 =	sadd.s32 $0x8000, s5;
	[dreg:$0xf] =	wrdreg s0  }
0x1a: {  	s29 =	sadd.s32 $0xC000, s5;
	s30 =	sadd.s32 $0x10000, s5;
	[dreg:$0x18] =	wrdreg s25  }
0x1b: {  	s7 =	simm.s32 $0x80;
	s0 =	sshrl.u32 s9, $0x3;
	[dreg:$0x19] =	wrdreg s26  }
0x1c: {  	s18 =	sshrl.u32 s17, $0x3;
	s20 =	sadd.s32 $0xF000, s5;
	[dreg:$0x1a] =	wrdreg s29  }
0x1d: {  	s24 =	sshrl.u32 s23, $0x3;
	[dreg:$0x1b] =	wrdreg s30;
	s17 =	simm.s32 $0x200  }
0x1e: {  	s8 =	simm.s32 $0x5;
	s9 =	simm.s32 $0x3;
	[dreg:$0x4] =	wrdreg s16  }
0x1f: {  	s23 =	simm.s32 $0x6;
	s25 =	simm.s32 $0x180;
	[dreg:$0x11] =	wrdreg s0  }
0x20: {  	s26 =	simm.s32 $0x4200;
	s0 =	sshrl.u32 s11, $0x3;
	[dreg:$0x14] =	wrdreg s18  }
.Ltmp0:
0x21: {  	[dreg:$0x17] =	wrdreg s24;
	s18 =	simm.s32 $0x9;
	(pc) =	sbr.rel .LBB2_1-.Ltmp0, $4  }
0x22: {  	s11 =	simm.s32 $0x2;
	[dreg:$0x12] =	wrdreg s0;
	s0 =	sshrl.u32 s12, $0x3  }
0x23: {  	s24 =	simm.s32 $0x8;
	[dreg:$0x13] =	wrdreg s0;
	s0 =	sshrl.u32 s19, $0x3  }
0x24: {  	s12 =	simm.s32 $0x4;
	[dreg:$0x15] =	wrdreg s0;
	s0 =	sshrl.u32 s20, $0x3  }
0x25: {  	v0 =	vimm.f32 $0.0e+00;
	s19 =	simm.s32 $0x100;
	s20 =	simm.s32 $0x1;
	[dreg:$0x16] =	wrdreg s0  }
.LBB2_4:
0x26: {  	s0 =	rddreg [dreg:$0x6]  }
0x27: {  	[tilespmem:s4], [sflag:$0x1] =	stream.linear.gather [hbm4b:s0+s4], $0x80, $0x38;
	[tilespmem:$0x1C200] =	vst v63  }
0x28: {  	s30 =	rddreg [dreg:$0x7]  }
0x29: {  	[tilespmem:s19], [sflag:$0x3] =	stream.linear.gather [hbm4b:s30+s4], $0x80, $0x38;
	[tilespmem:$0x1C200] =	vst v63  }
0x2a: {  	_ =	swait.ge [sflag:s20], $0x80  }
0x2b: {  	[sflag:s20] =	ssyncset.done $0x0  }
0x2c: {  	[sflag:s20] =	ssyncadd.s32 $0xFFFFFF80  }
0x2d: {  	[tilespmem:s17], [sflag:$0x5] =	stream.indirect.gather [hbm4b:s1+s7], $0x80, s4, s7, $0xb8;
	[tilespmem:$0x1C200] =	vst v63  }
0x2e: {  	_ =	swait.ge [sflag:s8], $0x4000  }
0x2f: {  	[sflag:s8] =	ssyncset.done $0x0  }
0x30: {  	[sflag:s8] =	ssyncadd.s32 $0xFFFFC000  }
0x31: {  	_ =	swait.ge [sflag:s9], $0x80  }
0x32: {  	[sflag:s9] =	ssyncset.done $0x0  }
0x33: {  	[sflag:s9] =	ssyncadd.s32 $0xFFFFFF80  }
0x34: {  	[spmem:s3] =	stream.indirect.scatter.add.f32 [tilespmem:s17], [sflag:$0x7], $0x80, s19, s7, $0xb8;
	[tilespmem:$0x1C200] =	vst v63  }
0x35: {  	_ =	swait.ge [sflag:s10], $0x4000  }
0x36: {  	[sflag:s10] =	ssyncset.done $0x0  }
0x37: {  	s2 =	rddreg [dreg:$0x8];
	[sflag:s10] =	ssyncadd.s32 $0xFFFFC000  }
0x38: {  	[tilespmem:s4], [sflag:$0x1] =	stream.linear.gather [hbm4b:s2+s4], $0x80, $0x38;
	[tilespmem:$0x1C200] =	vst v63  }
0x39: {  	s29 =	rddreg [dreg:$0x9]  }
0x3a: {  	[tilespmem:s19], [sflag:$0x3] =	stream.linear.gather [hbm4b:s29+s4], $0x80, $0x38;
	[tilespmem:$0x1C200] =	vst v63  }
0x3b: {  	_ =	swait.ge [sflag:s20], $0x80  }
0x3c: {  	[sflag:s20] =	ssyncset.done $0x0  }
0x3d: {  	[sflag:s20] =	ssyncadd.s32 $0xFFFFFF80  }
0x3e: {  	[tilespmem:s17], [sflag:$0x5] =	stream.indirect.gather [hbm4b:s1+s7], $0x80, s4, s7, $0xb8;
	[tilespmem:$0x1C200] =	vst v63  }
0x3f: {  	_ =	swait.ge [sflag:s8], $0x4000  }
0x40: {  	[sflag:s8] =	ssyncset.done $0x0  }
0x41: {  	[sflag:s8] =	ssyncadd.s32 $0xFFFFC000  }
0x42: {  	_ =	swait.ge [sflag:s9], $0x80  }
0x43: {  	[sflag:s9] =	ssyncset.done $0x0  }
0x44: {  	[sflag:s9] =	ssyncadd.s32 $0xFFFFFF80  }
0x45: {  	[spmem:s3] =	stream.indirect.scatter.add.f32 [tilespmem:s17], [sflag:$0x7], $0x80, s19, s7, $0xb8;
	[tilespmem:$0x1C200] =	vst v63  }
0x46: {  	_ =	swait.ge [sflag:s10], $0x4000  }
0x47: {  	[sflag:s10] =	ssyncset.done $0x0  }
0x48: {  	s30 =	rddreg [dreg:$0xa];
	[sflag:s10] =	ssyncadd.s32 $0xFFFFC000  }
0x49: {  	[tilespmem:s4], [sflag:$0x1] =	stream.linear.gather [hbm4b:s30+s4], $0x80, $0x38;
	[tilespmem:$0x1C200] =	vst v63  }
0x4a: {  	s2 =	rddreg [dreg:$0xb]  }
0x4b: {  	[tilespmem:s19], [sflag:$0x3] =	stream.linear.gather [hbm4b:s2+s4], $0x80, $0x38;
	[tilespmem:$0x1C200] =	vst v63  }
0x4c: {  	_ =	swait.ge [sflag:s20], $0x80  }
0x4d: {  	[sflag:s20] =	ssyncset.done $0x0  }
0x4e: {  	[sflag:s20] =	ssyncadd.s32 $0xFFFFFF80  }
0x4f: {  	[tilespmem:s17], [sflag:$0x5] =	stream.indirect.gather [hbm4b:s1+s7], $0x80, s4, s7, $0xb8;
	[tilespmem:$0x1C200] =	vst v63  }
0x50: {  	_ =	swait.ge [sflag:s8], $0x4000  }
0x51: {  	[sflag:s8] =	ssyncset.done $0x0  }
0x52: {  	[sflag:s8] =	ssyncadd.s32 $0xFFFFC000  }
0x53: {  	_ =	swait.ge [sflag:s9], $0x80  }
0x54: {  	[sflag:s9] =	ssyncset.done $0x0  }
0x55: {  	[sflag:s9] =	ssyncadd.s32 $0xFFFFFF80  }
0x56: {  	[spmem:s3] =	stream.indirect.scatter.add.f32 [tilespmem:s17], [sflag:$0x7], $0x80, s19, s7, $0xb8;
	[tilespmem:$0x1C200] =	vst v63  }
0x57: {  	_ =	swait.ge [sflag:s10], $0x4000  }
0x58: {  	[sflag:s10] =	ssyncset.done $0x0  }
0x59: {  	s29 =	rddreg [dreg:$0xc];
	[sflag:s10] =	ssyncadd.s32 $0xFFFFC000  }
0x5a: {  	[tilespmem:s4], [sflag:$0x1] =	stream.linear.gather [hbm4b:s29+s4], $0x80, $0x38;
	[tilespmem:$0x1C200] =	vst v63  }
0x5b: {  	s30 =	rddreg [dreg:$0xd]  }
0x5c: {  	[tilespmem:s19], [sflag:$0x3] =	stream.linear.gather [hbm4b:s30+s4], $0x80, $0x38;
	[tilespmem:$0x1C200] =	vst v63  }
0x5d: {  	_ =	swait.ge [sflag:s20], $0x80  }
0x5e: {  	[sflag:s20] =	ssyncset.done $0x0  }
0x5f: {  	[sflag:s20] =	ssyncadd.s32 $0xFFFFFF80  }
0x60: {  	[tilespmem:s17], [sflag:$0x5] =	stream.indirect.gather [hbm4b:s1+s7], $0x80, s4, s7, $0xb8;
	[tilespmem:$0x1C200] =	vst v63  }
0x61: {  	_ =	swait.ge [sflag:s8], $0x4000  }
0x62: {  	[sflag:s8] =	ssyncset.done $0x0  }
0x63: {  	[sflag:s8] =	ssyncadd.s32 $0xFFFFC000  }
0x64: {  	_ =	swait.ge [sflag:s9], $0x80  }
0x65: {  	[sflag:s9] =	ssyncset.done $0x0  }
0x66: {  	[sflag:s9] =	ssyncadd.s32 $0xFFFFFF80  }
0x67: {  	[spmem:s3] =	stream.indirect.scatter.add.f32 [tilespmem:s17], [sflag:$0x7], $0x80, s19, s7, $0xb8;
	[tilespmem:$0x1C200] =	vst v63  }
0x68: {  	_ =	swait.ge [sflag:s10], $0x4000  }
0x69: {  	[sflag:s10] =	ssyncset.done $0x0  }
0x6a: {  	[sflag:s10] =	ssyncadd.s32 $0xFFFFC000  }
.LBB2_8:
0x6b: {  	[bflag:$0x0] =	sbarrier.arrive $0xFFFF;
	s0 =	sor.u32 $0x1C01, s6;
	s2 =	sshrl.u32 s5, $0x3  }
0x6c: {  	[hbm:s31], [sflag:s0] =	dma.local [spmem:s2], $0x500  }
0x6d: {  	s30 =	sor.u32 $0x1C02, s6;
	s2 =	rddreg [dreg:$0x11]  }
0x6e: {  	[hbm:s13], [sflag:s30] =	dma.local [spmem:s2], $0x500  }
0x6f: {  	s29 =	sor.u32 $0x1C03, s6;
	s2 =	rddreg [dreg:$0x12]  }
0x70: {  	[hbm:s14], [sflag:s29] =	dma.local [spmem:s2], $0x500  }
0x71: {  	s30 =	sor.u32 $0x1C04, s6;
	s2 =	rddreg [dreg:$0x13]  }
0x72: {  	[hbm:s15], [sflag:s30] =	dma.local [spmem:s2], $0x500  }
0x73: {  	s29 =	sor.u32 $0x1C05, s6;
	s2 =	rddreg [dreg:$0x14]  }
0x74: {  	[hbm:s16], [sflag:s29] =	dma.local [spmem:s2], $0x500  }
0x75: {  	s2 =	rddreg [dreg:$0x5]  }
0x76: {  	s30 =	sor.u32 $0x1C06, s6;
	s29 =	rddreg [dreg:$0x15]  }
0x77: {  	[hbm:s2], [sflag:s30] =	dma.local [spmem:s29], $0x500  }
0x78: {  	s2 =	rddreg [dreg:$0xe]  }
0x79: {  	s30 =	sor.u32 $0x1C07, s6;
	s29 =	rddreg [dreg:$0x16]  }
0x7a: {  	[hbm:s2], [sflag:s30] =	dma.local [spmem:s29], $0x500  }
0x7b: {  	s2 =	rddreg [dreg:$0xf]  }
0x7c: {  	s30 =	sor.u32 $0x1C08, s6;
	s29 =	rddreg [dreg:$0x17]  }
0x7d: {  	[hbm:s2], [sflag:s30] =	dma.local [spmem:s29], $0x500  }
0x7e: {  	_ =	swait.ge [sflag:s20], $0x500  }
0x7f: {  	[sflag:s20] =	ssyncset.done $0x0  }
0x80: {  	[sflag:s20] =	ssyncadd.s32 $0xFFFFFB00  }
0x81: {  	_ =	swait.ge [sflag:s11], $0x500  }
0x82: {  	[sflag:s11] =	ssyncset.done $0x0  }
0x83: {  	[sflag:s11] =	ssyncadd.s32 $0xFFFFFB00  }
0x84: {  	_ =	swait.ge [sflag:s9], $0x500  }
0x85: {  	[sflag:s9] =	ssyncset.done $0x0  }
0x86: {  	[sflag:s9] =	ssyncadd.s32 $0xFFFFFB00  }
0x87: {  	_ =	swait.ge [sflag:s12], $0x500  }
0x88: {  	[sflag:s12] =	ssyncset.done $0x0  }
0x89: {  	[sflag:s12] =	ssyncadd.s32 $0xFFFFFB00  }
0x8a: {  	_ =	swait.ge [sflag:s8], $0x500  }
0x8b: {  	[sflag:s8] =	ssyncset.done $0x0  }
0x8c: {  	[sflag:s8] =	ssyncadd.s32 $0xFFFFFB00  }
0x8d: {  	_ =	swait.ge [sflag:s23], $0x500  }
0x8e: {  	[sflag:s23] =	ssyncset.done $0x0  }
0x8f: {  	[sflag:s23] =	ssyncadd.s32 $0xFFFFFB00  }
0x90: {  	_ =	swait.ge [sflag:s10], $0x500  }
0x91: {  	[sflag:s10] =	ssyncset.done $0x0  }
0x92: {  	[sflag:s10] =	ssyncadd.s32 $0xFFFFFB00  }
0x93: {  	_ =	swait.ge [sflag:s24], $0x500  }
0x94: {  	s28 =	sadd.s32 $0x1, s28;
	s30 =	rddreg [dreg:$0x10]  }
0x95: {  	p1 =	sne.s32 s28, s30  }
.Ltmp1:
0x96: {  	_ = 	snop;
	(pc) =	sbr.rel @!p1 .LBB2_9-.Ltmp1, $3  }
0x97: {  	_ =	sdelay $0x1  }
0x98: {  	[sflag:s24] =	ssyncset.done $0x0  }
0x99: {  	[sflag:s24] =	ssyncadd.s32 $0xFFFFFB00  }
.LBB2_1:
0x9a: {  	s29 =	simm.s32 $0x0;
	s30 =	simm.s32 $0x200  }
.LBB2_2:
0x9b: {  	p1 =	sne.s32 s30, $0xFE00;
	[tilespmem:s29+$0x270] =	vst v0  }
0x9c: {  	[tilespmem:s29+$0x200] =	vst v0  }
0x9d: {  	[tilespmem:s29+$0x210] =	vst v0  }
.Ltmp2:
0x9e: {  	[tilespmem:s29+$0x220] =	vst v0;
	(pc) =	sbr.rel @p1 .LBB2_2-.Ltmp2, $4  }
0x9f: {  	[tilespmem:s29+$0x230] =	vst v0  }
0xa0: {  	[tilespmem:s29+$0x240] =	vst v0  }
0xa1: {  	[tilespmem:s29+$0x250] =	vst v0  }
0xa2: {  	[tilespmem:s29+$0x260] =	vst v0;
	s29 =	sshra.s32 s30, $0x2;
	s30 =	sadd.s32 $0x200, s30  }
0xa3: {  	[tilespmem:s29+$0x270] =	vst v0  }
0xa4: {  	[tilespmem:s29+$0x200] =	vst v0  }
0xa5: {  	[tilespmem:s29+$0x210] =	vst v0  }
0xa6: {  	[tilespmem:s29+$0x220] =	vst v0  }
0xa7: {  	[tilespmem:s29+$0x230] =	vst v0  }
0xa8: {  	[tilespmem:s29+$0x240] =	vst v0  }
0xa9: {  	[tilespmem:s29+$0x250] =	vst v0  }
0xaa: {  	[tilespmem:s29+$0x260] =	vst v0  }
0xab: {  	[spmem:s5] =	stream.linear.scatter [tilespmem:s17], [sflag:$0x9], $0x4000, $0x38;
	[tilespmem:$0x1C200] =	vst v63  }
0xac: {  	_ =	swait.ge [sflag:s18], $0x4000  }
0xad: {  	[sflag:s18] =	ssyncset.done $0x0  }
0xae: {  	s0 =	rddreg [dreg:$0x18];
	[sflag:s18] =	ssyncadd.s32 $0xFFFFC000  }
0xaf: {  	[spmem:s0] =	stream.linear.scatter [tilespmem:s17], [sflag:$0x9], $0x4000, $0x38;
	[tilespmem:$0x1C200] =	vst v63  }
0xb0: {  	_ =	swait.ge [sflag:s18], $0x4000  }
0xb1: {  	[sflag:s18] =	ssyncset.done $0x0  }
0xb2: {  	s2 =	rddreg [dreg:$0x19];
	[sflag:s18] =	ssyncadd.s32 $0xFFFFC000  }
0xb3: {  	[spmem:s2] =	stream.linear.scatter [tilespmem:s17], [sflag:$0x9], $0x4000, $0x38;
	[tilespmem:$0x1C200] =	vst v63  }
0xb4: {  	_ =	swait.ge [sflag:s18], $0x4000  }
0xb5: {  	[sflag:s18] =	ssyncset.done $0x0  }
0xb6: {  	s29 =	rddreg [dreg:$0x1a];
	[sflag:s18] =	ssyncadd.s32 $0xFFFFC000  }
0xb7: {  	[spmem:s29] =	stream.linear.scatter [tilespmem:s17], [sflag:$0x9], $0x4000, $0x38;
	[tilespmem:$0x1C200] =	vst v63  }
0xb8: {  	_ =	swait.ge [sflag:s18], $0x4000  }
0xb9: {  	[sflag:s18] =	ssyncset.done $0x0  }
0xba: {  	s30 =	rddreg [dreg:$0x1b];
	[sflag:s18] =	ssyncadd.s32 $0xFFFFC000  }
0xbb: {  	[spmem:s30] =	stream.linear.scatter [tilespmem:s17], [sflag:$0x9], $0x4000, $0x38;
	[tilespmem:$0x1C200] =	vst v63  }
.Ltmp3:
0xbc: {  	_ =	swait.ge [sflag:s18], $0x4000;
	(pc) =	sbr.rel @p0 .LBB2_4-.Ltmp3, $3  }
0xbd: {  	[sflag:s18] =	ssyncset.done $0x0  }
0xbe: {  	[sflag:s18] =	ssyncadd.s32 $0xFFFFC000  }
0xbf: {  	[bflag:$0x0] =	sbarrier.arrive $0xFFFF;
	_ =	sdelay $0x1  }
0xc0: {  	s29 =	sadd.s32 $0x0, s21  }
0xc1: {  	[tilespmem:s4], [sflag:$0x1] =	stream.linear.gather [hbm4b:s29+s4], $0x80, $0x38;
	[tilespmem:$0x1C200] =	vst v63  }
0xc2: {  	s30 =	sadd.s32 $0x0, s22  }
0xc3: {  	[tilespmem:s19], [sflag:$0x3] =	stream.linear.gather [hbm4b:s30+s4], $0x80, $0x38;
	[tilespmem:$0x1C200] =	vst v63  }
0xc4: {  	s29 =	sadd.s32 $0x10, s29  }
0xc5: {  	[tilespmem:s7], [sflag:$0x2] =	stream.linear.gather [hbm4b:s29+s4], $0x80, $0x38;
	[tilespmem:$0x1C200] =	vst v63  }
0xc6: {  	s29 =	sadd.s32 $0x10, s30  }
0xc7: {  	[tilespmem:s25], [sflag:$0x4] =	stream.linear.gather [hbm4b:s29+s4], $0x80, $0x38;
	[tilespmem:$0x1C200] =	vst v63  }
0xc8: {  	_ =	swait.ge [sflag:s20], $0x80  }
0xc9: {  	[sflag:s20] =	ssyncset.done $0x0  }
0xca: {  	[sflag:s20] =	ssyncadd.s32 $0xFFFFFF80  }
0xcb: {  	[tilespmem:s17], [sflag:$0x5] =	stream.indirect.gather [hbm4b:s1+s7], $0x80, s4, s7, $0xb8;
	[tilespmem:$0x1C200] =	vst v63  }
0xcc: {  	_ =	swait.ge [sflag:s11], $0x80  }
0xcd: {  	[sflag:s11] =	ssyncset.done $0x0  }
0xce: {  	[sflag:s11] =	ssyncadd.s32 $0xFFFFFF80  }
0xcf: {  	[tilespmem:s26], [sflag:$0x6] =	stream.indirect.gather [hbm4b:s1+s7], $0x80, s7, s7, $0xb8;
	[tilespmem:$0x1C200] =	vst v63  }
0xd0: {  	_ =	swait.ge [sflag:s8], $0x4000  }
0xd1: {  	[sflag:s8] =	ssyncset.done $0x0  }
0xd2: {  	[sflag:s8] =	ssyncadd.s32 $0xFFFFC000  }
0xd3: {  	_ =	swait.ge [sflag:s9], $0x80  }
0xd4: {  	[sflag:s9] =	ssyncset.done $0x0  }
0xd5: {  	[sflag:s9] =	ssyncadd.s32 $0xFFFFFF80  }
0xd6: {  	[spmem:s3] =	stream.indirect.scatter.add.f32 [tilespmem:s17], [sflag:$0x7], $0x80, s19, s7, $0xb8;
	[tilespmem:$0x1C200] =	vst v63  }
0xd7: {  	_ =	swait.ge [sflag:s23], $0x4000  }
0xd8: {  	[sflag:s23] =	ssyncset.done $0x0  }
0xd9: {  	[sflag:s23] =	ssyncadd.s32 $0xFFFFC000  }
0xda: {  	_ =	swait.ge [sflag:s12], $0x80  }
0xdb: {  	[sflag:s12] =	ssyncset.done $0x0  }
0xdc: {  	[sflag:s12] =	ssyncadd.s32 $0xFFFFFF80  }
0xdd: {  	[spmem:s3] =	stream.indirect.scatter.add.f32 [tilespmem:s26], [sflag:$0x8], $0x80, s25, s7, $0xb8;
	[tilespmem:$0x1C200] =	vst v63  }
0xde: {  	_ =	swait.ge [sflag:s10], $0x4000  }
0xdf: {  	[sflag:s10] =	ssyncset.done $0x0  }
0xe0: {  	s16 =	smov.u32 s15;
	s15 =	smov.u32 s14;
	[sflag:s10] =	ssyncadd.s32 $0xFFFFC000  }
0xe1: {  	s14 =	smov.u32 s13;
	s13 =	smov.u32 s31;
	_ =	swait.ge [sflag:s24], $0x4000  }
0xe2: {  	s30 =	simm.s32 $0x40;
	s29 =	simm.s32 $0x20;
	[sflag:s24] =	ssyncset.done $0x0  }
.LBB2_6:
0xe3: {  	s0 =	sadd.s32 s29, s21  }
0xe4: {  	[sflag:s24] =	ssyncadd.s32 $0xFFFFC000;
	s2 =	smov.u32 s30;
	s31 =	sadd.s32 $0x20, s30  }
0xe5: {  	[tilespmem:s4], [sflag:$0x1] =	stream.linear.gather [hbm4b:s0+s4], $0x80, $0x38;
	[tilespmem:$0x1C200] =	vst v63  }
0xe6: {  	p1 =	sne.s32 s30, $0x9A0;
	s30 =	sadd.s32 s29, s22;
	s29 =	smov.u32 s2  }
0xe7: {  	[tilespmem:s19], [sflag:$0x3] =	stream.linear.gather [hbm4b:s30+s4], $0x80, $0x38;
	[tilespmem:$0x1C200] =	vst v63  }
0xe8: {  	s0 =	sadd.s32 $0x10, s0  }
0xe9: {  	[tilespmem:s7], [sflag:$0x2] =	stream.linear.gather [hbm4b:s0+s4], $0x80, $0x38;
	[tilespmem:$0x1C200] =	vst v63  }
0xea: {  	s0 =	sadd.s32 $0x10, s30  }
0xeb: {  	[tilespmem:s25], [sflag:$0x4] =	stream.linear.gather [hbm4b:s0+s4], $0x80, $0x38;
	[tilespmem:$0x1C200] =	vst v63  }
0xec: {  	_ =	swait.ge [sflag:s20], $0x80  }
0xed: {  	[sflag:s20] =	ssyncset.done $0x0  }
0xee: {  	[sflag:s20] =	ssyncadd.s32 $0xFFFFFF80  }
0xef: {  	[tilespmem:s17], [sflag:$0x5] =	stream.indirect.gather [hbm4b:s1+s7], $0x80, s4, s7, $0xb8;
	[tilespmem:$0x1C200] =	vst v63  }
0xf0: {  	_ =	swait.ge [sflag:s11], $0x80  }
0xf1: {  	[sflag:s11] =	ssyncset.done $0x0  }
0xf2: {  	[sflag:s11] =	ssyncadd.s32 $0xFFFFFF80  }
0xf3: {  	[tilespmem:s26], [sflag:$0x6] =	stream.indirect.gather [hbm4b:s1+s7], $0x80, s7, s7, $0xb8;
	[tilespmem:$0x1C200] =	vst v63  }
0xf4: {  	_ =	swait.ge [sflag:s8], $0x4000  }
0xf5: {  	[sflag:s8] =	ssyncset.done $0x0  }
0xf6: {  	[sflag:s8] =	ssyncadd.s32 $0xFFFFC000  }
0xf7: {  	_ =	swait.ge [sflag:s9], $0x80  }
0xf8: {  	[sflag:s9] =	ssyncset.done $0x0  }
0xf9: {  	[sflag:s9] =	ssyncadd.s32 $0xFFFFFF80  }
0xfa: {  	[spmem:s3] =	stream.indirect.scatter.add.f32 [tilespmem:s17], [sflag:$0x7], $0x80, s19, s7, $0xb8;
	[tilespmem:$0x1C200] =	vst v63  }
0xfb: {  	_ =	swait.ge [sflag:s23], $0x4000  }
0xfc: {  	[sflag:s23] =	ssyncset.done $0x0  }
0xfd: {  	[sflag:s23] =	ssyncadd.s32 $0xFFFFC000  }
0xfe: {  	_ =	swait.ge [sflag:s12], $0x80  }
0xff: {  	[sflag:s12] =	ssyncset.done $0x0  }
0x100: {  	[sflag:s12] =	ssyncadd.s32 $0xFFFFFF80  }
0x101: {  	[spmem:s3] =	stream.indirect.scatter.add.f32 [tilespmem:s26], [sflag:$0x8], $0x80, s25, s7, $0xb8;
	[tilespmem:$0x1C200] =	vst v63  }
.Ltmp4:
0x102: {  	_ =	swait.ge [sflag:s10], $0x4000;
	(pc) =	sbr.rel @p1 .LBB2_6-.Ltmp4, $4  }
0x103: {  	[sflag:s10] =	ssyncset.done $0x0  }
0x104: {  	[sflag:s10] =	ssyncadd.s32 $0xFFFFC000  }
0x105: {  	_ =	swait.ge [sflag:s24], $0x4000  }
0x106: {  	s30 =	smov.u32 s31;
	[sflag:s24] =	ssyncset.done $0x0  }
0x107: {  	s0 =	sadd.s32 s29, s21;
	[sflag:s24] =	ssyncadd.s32 $0xFFFFC000  }
0x108: {  	[tilespmem:s4], [sflag:$0x1] =	stream.linear.gather [hbm4b:s0+s4], $0x80, $0x38;
	[tilespmem:$0x1C200] =	vst v63  }
0x109: {  	s2 =	sadd.s32 s29, s22  }
0x10a: {  	[tilespmem:s19], [sflag:$0x3] =	stream.linear.gather [hbm4b:s2+s4], $0x80, $0x38;
	[tilespmem:$0x1C200] =	vst v63  }
0x10b: {  	s0 =	sadd.s32 $0x10, s0  }
0x10c: {  	[tilespmem:s7], [sflag:$0x2] =	stream.linear.gather [hbm4b:s0+s4], $0x80, $0x38;
	[tilespmem:$0x1C200] =	vst v63  }
0x10d: {  	s30 =	sadd.s32 $0x10, s2  }
0x10e: {  	[tilespmem:s25], [sflag:$0x4] =	stream.linear.gather [hbm4b:s30+s4], $0x80, $0x38;
	[tilespmem:$0x1C200] =	vst v63  }
0x10f: {  	_ =	swait.ge [sflag:s20], $0x80  }
0x110: {  	[sflag:s20] =	ssyncset.done $0x0  }
0x111: {  	[sflag:s20] =	ssyncadd.s32 $0xFFFFFF80  }
0x112: {  	[tilespmem:s17], [sflag:$0x5] =	stream.indirect.gather [hbm4b:s1+s7], $0x80, s4, s7, $0xb8;
	[tilespmem:$0x1C200] =	vst v63  }
0x113: {  	_ =	swait.ge [sflag:s11], $0x80  }
0x114: {  	[sflag:s11] =	ssyncset.done $0x0  }
0x115: {  	[sflag:s11] =	ssyncadd.s32 $0xFFFFFF80  }
0x116: {  	[tilespmem:s26], [sflag:$0x6] =	stream.indirect.gather [hbm4b:s1+s7], $0x80, s7, s7, $0xb8;
	[tilespmem:$0x1C200] =	vst v63  }
0x117: {  	_ =	swait.ge [sflag:s8], $0x4000  }
0x118: {  	[sflag:s8] =	ssyncset.done $0x0  }
0x119: {  	[sflag:s8] =	ssyncadd.s32 $0xFFFFC000  }
0x11a: {  	_ =	swait.ge [sflag:s9], $0x80  }
0x11b: {  	[sflag:s9] =	ssyncset.done $0x0  }
0x11c: {  	[sflag:s9] =	ssyncadd.s32 $0xFFFFFF80  }
0x11d: {  	[spmem:s3] =	stream.indirect.scatter.add.f32 [tilespmem:s17], [sflag:$0x7], $0x80, s19, s7, $0xb8;
	[tilespmem:$0x1C200] =	vst v63  }
0x11e: {  	_ =	swait.ge [sflag:s23], $0x4000  }
0x11f: {  	[sflag:s23] =	ssyncset.done $0x0  }
0x120: {  	[sflag:s23] =	ssyncadd.s32 $0xFFFFC000  }
0x121: {  	_ =	swait.ge [sflag:s12], $0x80  }
0x122: {  	[sflag:s12] =	ssyncset.done $0x0  }
0x123: {  	[sflag:s12] =	ssyncadd.s32 $0xFFFFFF80  }
0x124: {  	[spmem:s3] =	stream.indirect.scatter.add.f32 [tilespmem:s26], [sflag:$0x8], $0x80, s25, s7, $0xb8;
	[tilespmem:$0x1C200] =	vst v63  }
0x125: {  	_ =	swait.ge [sflag:s10], $0x4000  }
.Ltmp5:
0x126: {  	[sflag:s10] =	ssyncset.done $0x0;
	(pc) =	sbr.rel .LBB2_8-.Ltmp5, $4  }
0x127: {  	[sflag:s10] =	ssyncadd.s32 $0xFFFFC000  }
0x128: {  	s31 =	smov.u32 s13;
	_ =	swait.ge [sflag:s24], $0x4000  }
0x129: {  	s13 =	smov.u32 s14;
	s14 =	smov.u32 s15;
	[sflag:s24] =	ssyncset.done $0x0  }
0x12a: {  	s15 =	smov.u32 s16;
	s16 =	rddreg [dreg:$0x4];
	[sflag:s24] =	ssyncadd.s32 $0xFFFFC000  }
.LBB2_9:
0x12b: {  	_ =	sfence.sel $0x180000  }
0x12c: {  	[bflag:$0x0] =	sbarrier.arrive $0xFFFF  }
0x12d: {  	_ =	strace $0x9000004A  }
0x12e: {  	s0 =	stileid.u32;
	[bflag:$0x2] =	sbarrier.arrive $0xFFFF  }
0x12f: {  	p0 =	sne.s32 s0, $0x0;
	s0 =	rddreg [dreg:$0x3]  }
0x130: {  	s0 =	sadd.s32 @!p0 $0x100000, s0  }
0x131: {  	[sflag:s0] =	ssyncadd.tile.s32 @!p0 $0x1;
	_ =	shalt  }
.Lfunc_end2:
_tile_overlayer_lowered:
.L_overlay_start_2:
0x132: {  	(tag) =	ssettag $0x2  }
0x133: {  	s0 =	rddreg [dreg:$0x0];
	s2 =	stileid.u32  }
0x134: {  	s1 =	rddreg [dreg:$0x1];
	p0 =	sne.s32 s2, $0x0  }
0x135: {  	s3 =	rddreg [dreg:$0x2];
	[bflag:$0x3] =	sbarrier.arrive $0xFFFF;
	s2 =	simm.s32 @!p0 $0x1C09  }
0x136: {  	[timem:s3], [sflag:s2] =	dma.local @!p0 [hbm:s0], s1  }
0x137: {  	s0 =	simm.s32 @!p0 $0x9  }
0x138: {  	_ =	swait.ge @!p0 [sflag:s0], s1  }
0x139: {  	s1 =	ssub.s32 @!p0 $0x0, s1;
	[sflag:s0] =	ssyncset.done @!p0 $0x0  }
0x13a: {  	[sflag:s0] =	ssyncadd.s32 @!p0 s1  }
0x13b: {  	[bflag:$0x3] =	sbarrier.arrive $0xFFFF  }
0x13c: {  	_ =	shalt  }

</sc_bundles>
